<compile_context>
chip_gen: v7x
topology: tpu7x:2x2x1
jax: 0.10.2.dev20260603
libtpu: 0.0.44.dev20260713+nightly
codegen_flags: <defaults>
</compile_context>

<pallas_src>
import dataclasses

import jax
import jax.numpy as jnp
import numpy as np
from jax import lax
from jax.experimental import pallas as pl
from jax.experimental.pallas import tpu as pltpu
from jax.experimental.pallas import tpu_sc as plsc

_N = 16384
_C = 10
_NB = 15
_L = 16
_NTILES = 32
_ROWS_PER_TILE = _N // _NTILES
_BLKS = _ROWS_PER_TILE // _L
_PROWS = 98

_INV_BIN_W = float(1.0 / 15)
_BOUNDS_NP = np.linspace(0.0, 1.0, _NB + 1).astype(np.float32)


_HALF = _ROWS_PER_TILE // 2
_HBLKS = _HALF // _L


def _sc_body(x_hbm, t_hbm, b_hbm, out_hbm, xv0, xv1, tv, bv, P, tm,
             sem0, sem1, semt):
    wid = lax.axis_index("c") * 16 + lax.axis_index("s")
    base = wid * _ROWS_PER_TILE
    cp0 = pltpu.async_copy(x_hbm.at[:, pl.ds(base, _HALF)], xv0, sem0)
    cp1 = pltpu.async_copy(x_hbm.at[:, pl.ds(base + _HALF, _HALF)], xv1, sem1)
    cpt = pltpu.async_copy(t_hbm.at[pl.ds(base, _ROWS_PER_TILE)], tv, semt)
    pltpu.sync_copy(b_hbm, bv)

    zf = jnp.zeros((_L,), jnp.float32)

    @pl.loop(0, _PROWS)
    def _zero(r):
        P.at[r][...] = zf

    lanes = lax.iota(jnp.int32, _L)
    ones = jnp.ones((_L,), jnp.float32)

    def _tree(vals, op):
        while len(vals) > 1:
            vals = [op(vals[i], vals[i + 1]) if i + 1 < len(vals) else vals[i]
                    for i in range(0, len(vals), 2)]
        return vals[0]

    def _process_half(buf):

        @pl.loop(0, _HBLKS, step=2)
        def _blk(j0):
            for u in range(2):
                r0 = (j0 + u) * _L
                xs = [buf[k, pl.ds(r0, _L)] for k in range(_C)]
                m = _tree(xs, jnp.maximum)
                es = [jnp.exp(x - m) for x in xs]
                s = _tree(es, lambda a, b: a + b)
                e2 = _tree([e * e for e in es], lambda a, b: a + b)
                inv = 1.0 / s
                plsc.addupdate(P.at[96], e2 * inv * inv)

                for col, off in ((0, 0), (1, 48)):
                    cc = es[col] / s
                    q = cc / _INV_BIN_W
                    fb = jnp.minimum(q.astype(jnp.int32), 14)
                    g1 = plsc.load_gather(bv, [fb])
                    g2 = plsc.load_gather(bv, [fb + 1])
                    tb = (fb - (cc <= g1).astype(jnp.int32)
                          + (cc > g2).astype(jnp.int32))
                    plsc.addupdate_scatter(P, [fb + off, lanes], cc)
                    plsc.addupdate_scatter(P, [fb + (off + 16), lanes], ones)
                    plsc.addupdate_scatter(P, [tb + (off + 32), lanes], ones,
                                           mask=tb >= 0)

    cp0.wait()
    _process_half(xv0)
    cp1.wait()
    _process_half(xv1)

    cpt.wait()
    tm[...] = tv[pl.ds(0, _L)]

    @pl.loop(1, _BLKS)
    def _tmax(j):
        tm[...] = jnp.maximum(tm[...], tv[pl.ds(j * _L, _L)])

    P.at[97][...] = tm[...].astype(jnp.float32)
    pltpu.sync_copy(P, out_hbm.at[wid])


def _fin_body(p_ref, o_ref):
    p = p_ref[...]
    rowsum = jnp.sum(p, axis=(0, 2))
    n_oh = jnp.max(p[:, 97, :]) + 1.0
    a = (n_oh - 1.0) / n_oh
    c = 1.0 / n_oh
    S0 = rowsum[0:16]
    C0 = rowsum[16:32]
    O0 = rowsum[32:48]
    S1 = rowsum[48:64]
    C1 = rowsum[64:80]
    O1 = rowsum[80:96]
    t0 = jnp.where(O0 > 0, a * a * C0 - 2.0 * a * S0, 0.0)
    t1 = jnp.where(O1 > 0, c * c * C1 - 2.0 * c * S1, 0.0)
    total = rowsum[96] + jnp.sum(t0) + jnp.sum(t1)
    o_ref[...] = (total / np.float32(_N * _C)).reshape(1, 1)


def _sc_compiler_params():
    cp = pltpu.CompilerParams()
    if "needs_layout_passes" in pltpu.CompilerParams.__dataclass_fields__:
        cp = dataclasses.replace(cp, needs_layout_passes=False)
    return cp


def kernel(input, target):
    bounds = jnp.asarray(_BOUNDS_NP)
    sc_pass = pl.kernel(
        _sc_body,
        out_type=jax.ShapeDtypeStruct((_NTILES, _PROWS, _L), jnp.float32),
        mesh=plsc.VectorSubcoreMesh(core_axis_name="c", subcore_axis_name="s"),
        scratch_types=[
            pltpu.VMEM((_C, _HALF), jnp.float32),
            pltpu.VMEM((_C, _HALF), jnp.float32),
            pltpu.VMEM((_ROWS_PER_TILE,), jnp.int32),
            pltpu.VMEM((_NB + 1,), jnp.float32),
            pltpu.VMEM((_PROWS, _L), jnp.float32),
            pltpu.VMEM((_L,), jnp.int32),
            pltpu.SemaphoreType.DMA,
            pltpu.SemaphoreType.DMA,
            pltpu.SemaphoreType.DMA,
        ],
        compiler_params=_sc_compiler_params(),
    )
    partials = sc_pass(input.T, target, bounds)
    out = pl.pallas_call(
        _fin_body,
        out_shape=jax.ShapeDtypeStruct((1, 1), jnp.float32),
    )(partials)
    return out[0, 0]

# --- scband reference (transcript-rebuilt; emitter-appended) ---
"""Pipeline reference for scband-klece-19292993094182 (READ-ONLY COPY).

The authoritative reference and input builder live on the scoring server;
editing this copy changes nothing except your own understanding.
"""

import jax, jax.numpy as jnp
import numpy as np

N_CLASSES = 10
N_BINS = 15
BATCH = 16384


def _update_table(softmaxes, labels_oh, n_classes, n_bins, n_oh):
    # Faithful port of update_confidence_table with a freshly-filled memory
    # (first forward call: deques contain exactly the current batch).
    sm = softmaxes
    lab = labels_oh
    bounds = np.linspace(0.0, 1.0, n_bins + 1)
    table = jnp.zeros((n_classes, n_bins), dtype=jnp.float32)
    # NOTE: torch code does num_classes = max(one_hot_labels) + 1 == 2 (faithful quirk);
    # a one-hot of in-range targets always attains max 1, so this is statically 2.
    num_classes = 2
    col_valid = jnp.arange(lab.shape[1]) < n_oh
    for i in range(num_classes):
        cc = sm[:, i]
        lic = (lab == i) & col_valid[None, :]  # boolean matrix [N, C], matching torch labels.eq(i)
        for b in range(n_bins):
            in_bin = (cc > bounds[b]) & (cc <= bounds[b + 1])
            cnt = jnp.sum(in_bin)
            hits = jnp.sum(lic & in_bin[:, None])
            denom = (cnt * n_oh).astype(jnp.float32)
            acc = hits.astype(jnp.float32) / jnp.where(cnt > 0, denom, 1.0)
            table = table.at[i, b].set(jnp.where(cnt > 0, acc, 0.0))
    return table


def setup_inputs(seed: int = 0):
    key = jax.random.key(seed)
    k1, k2 = jax.random.split(key)
    inp = jax.random.normal(k1, (BATCH, N_CLASSES), dtype=jnp.float32)
    target = jax.random.randint(k2, (BATCH,), 0, N_CLASSES, dtype=jnp.int32)
    return {"input": inp, "target": target}


def reference(input, target):
    sm = jax.nn.softmax(input, axis=1)
    n_oh = jnp.max(target) + 1  # F.one_hot without num_classes -> max+1
    labels_oh = jax.nn.one_hot(target, N_CLASSES, dtype=jnp.int32)
    table = _update_table(sm, labels_oh, N_CLASSES, N_BINS, n_oh)
    # get_ground_truth_confidence: bin index hardcoded to 1/15 width bins
    bin_ind = jnp.floor(sm / (1.0 / 15)).astype(jnp.int32)
    bin_ind = jnp.clip(bin_ind, 0, N_BINS - 1)
    # gtc[i, k] = table[k, bin_ind[i, k]]
    gtc = table[jnp.arange(N_CLASSES)[None, :], bin_ind]
    klece = jnp.mean((sm - gtc) ** 2)
    return klece

if __name__ == "__main__":
    import jax
    _d = setup_inputs()
    print(jax.jit(kernel)(*tuple(_d.values())))

</pallas_src>

<mosaic_0001>
#map = affine_map<(d0, d1) -> (0, 0)>
#map1 = affine_map<(d0, d1) -> (0)>
#map2 = affine_map<(d0, d1) -> (0, 0, 0)>
module attributes {stable_mosaic.version = 14 : i64} {
  func.func @_sc_body(%arg0: i32, %arg1: i32, %arg2: memref<10x16384xf32, #tpu.memory_space<hbm>>, %arg3: memref<16384xi32, #tpu.memory_space<hbm>>, %arg4: memref<16xf32, #tpu.memory_space<hbm>>, %arg5: memref<32x98x16xf32, #tpu.memory_space<hbm>>, %arg6: memref<10x256xf32, #tpu.memory_space<vmem>>, %arg7: memref<10x256xf32, #tpu.memory_space<vmem>>, %arg8: memref<512xi32, #tpu.memory_space<vmem>>, %arg9: memref<16xf32, #tpu.memory_space<vmem>>, %arg10: memref<98x16xf32, #tpu.memory_space<vmem>>, %arg11: memref<16xi32, #tpu.memory_space<vmem>>, %arg12: memref<!tpu.dma_semaphore, #tpu.memory_space<semaphore_mem>>, %arg13: memref<!tpu.dma_semaphore, #tpu.memory_space<semaphore_mem>>, %arg14: memref<!tpu.dma_semaphore, #tpu.memory_space<semaphore_mem>>) attributes {dimension_semantics = [#tpu.dimension_semantics<core_parallel>, #tpu.dimension_semantics<subcore_parallel>], iteration_bounds = array<i64: 2, 16>, scalar_prefetch = 0 : i64, scratch_operands = 9 : i64, tpu.core_type = #tpu.core_type<sc_vector_subcore>, window_params = [{transform_indices = #map}, {transform_indices = #map1}, {transform_indices = #map1}, {transform_indices = #map2}]} {
    %mul3A = arith.constant 16 : i32
    %mul3A_0 = arith.muli %arg0, %mul3A : i32
    %add3A = arith.addi %mul3A_0, %arg1 : i32
    %mul3A_1 = arith.constant 512 : i32
    %mul3A_2 = arith.muli %add3A, %mul3A_1 : i32
    %dma_start3A = arith.constant 0 : i32
    %dma_start3A_3 = tpu.memref_slice %arg2[%dma_start3A, %mul3A_2] : memref<10x16384xf32, #tpu.memory_space<hbm>> -> memref<10x256xf32, #tpu.memory_space<hbm>>
    %dma_start3A_4 = arith.constant 0 : i32
    %dma_start3A_5 = tpu.memref_slice %arg2[%dma_start3A_4, %mul3A_2] : memref<10x16384xf32, #tpu.memory_space<hbm>> -> memref<10x256xf32, #tpu.memory_space<hbm>>
    tpu.enqueue_dma source(%dma_start3A_5 : memref<10x256xf32, #tpu.memory_space<hbm>>) target(%arg6 : memref<10x256xf32, #tpu.memory_space<vmem>>) target_semaphore(%arg12 : memref<!tpu.dma_semaphore, #tpu.memory_space<semaphore_mem>>)
    %add3A_6 = arith.constant 256 : i32
    %add3A_7 = arith.addi %mul3A_2, %add3A_6 : i32
    %dma_start3A_8 = arith.constant 0 : i32
    %dma_start3A_9 = tpu.memref_slice %arg2[%dma_start3A_8, %add3A_7] : memref<10x16384xf32, #tpu.memory_space<hbm>> -> memref<10x256xf32, #tpu.memory_space<hbm>>
    %dma_start3A_10 = arith.constant 0 : i32
    %dma_start3A_11 = tpu.memref_slice %arg2[%dma_start3A_10, %add3A_7] : memref<10x16384xf32, #tpu.memory_space<hbm>> -> memref<10x256xf32, #tpu.memory_space<hbm>>
    tpu.enqueue_dma source(%dma_start3A_11 : memref<10x256xf32, #tpu.memory_space<hbm>>) target(%arg7 : memref<10x256xf32, #tpu.memory_space<vmem>>) target_semaphore(%arg13 : memref<!tpu.dma_semaphore, #tpu.memory_space<semaphore_mem>>)
    %dma_start3A_12 = tpu.memref_slice %arg3[%mul3A_2] : memref<16384xi32, #tpu.memory_space<hbm>> -> memref<512xi32, #tpu.memory_space<hbm>>
    %dma_start3A_13 = tpu.memref_slice %arg3[%mul3A_2] : memref<16384xi32, #tpu.memory_space<hbm>> -> memref<512xi32, #tpu.memory_space<hbm>>
    tpu.enqueue_dma source(%dma_start3A_13 : memref<512xi32, #tpu.memory_space<hbm>>) target(%arg8 : memref<512xi32, #tpu.memory_space<vmem>>) target_semaphore(%arg14 : memref<!tpu.dma_semaphore, #tpu.memory_space<semaphore_mem>>)
    "tpu.region"() ({
      %run_scoped3A = tpu.sem_alloc : memref<!tpu.dma_semaphore, #tpu.memory_space<semaphore_mem>>
      tpu.enqueue_dma source(%arg4 : memref<16xf32, #tpu.memory_space<hbm>>) target(%arg9 : memref<16xf32, #tpu.memory_space<vmem>>) target_semaphore(%run_scoped3A : memref<!tpu.dma_semaphore, #tpu.memory_space<semaphore_mem>>)
      tpu.wait_dma2 semaphore(%run_scoped3A : memref<!tpu.dma_semaphore, #tpu.memory_space<semaphore_mem>>) src(%arg4 : memref<16xf32, #tpu.memory_space<hbm>>) dst(%arg9 : memref<16xf32, #tpu.memory_space<vmem>>)
      tpu.yield
    }) : () -> ()
    %broadcast_in_dim3A = arith.constant 0.000000e+00 : f32
    %broadcast_in_dim3A_14 = vector.broadcast %broadcast_in_dim3A : f32 to vector<16xf32>
    %scan3A = arith.constant 0 : i32
    %scan3A_15 = arith.constant 98 : i32
    %scan3A_16 = arith.addi %scan3A, %scan3A_15 : i32
    %scan3A_17 = arith.constant 1 : i32
    scf.for %scan3A_53 = %scan3A to %scan3A_16 step %scan3A_17  : i32 {
      %mul3A_54 = arith.constant 1 : i32
      %mul3A_55 = arith.muli %scan3A_53, %mul3A_54 : i32
      %add3A_56 = arith.constant 0 : i32
      %add3A_57 = arith.addi %add3A_56, %mul3A_55 : i32
      %swap3A_58 = arith.index_cast %add3A_57 : i32 to index
      %swap3A_59 = arith.constant 0 : index
      %swap3A_60 = tpu.vector_load %arg10[%swap3A_58, %swap3A_59] {strides = array<i32>} : memref<98x16xf32, #tpu.memory_space<vmem>>, vector<16xf32>,
      tpu.vector_store %arg10[%swap3A_58, %swap3A_59], %broadcast_in_dim3A_14 {strides = array<i32>} : memref<98x16xf32, #tpu.memory_space<vmem>>, vector<16xf32>,
    }
    %scan3A_18 = arith.constant 98 : i32
    %iota3A = tpu.iota {dimensions = array<i32: 0>} : vector<16xi32>
    %broadcast_in_dim3A_19 = arith.constant 1.000000e+00 : f32
    %broadcast_in_dim3A_20 = vector.broadcast %broadcast_in_dim3A_19 : f32 to vector<16xf32>
    %dma_wait3A = arith.constant 0 : i32
    %dma_wait3A_21 = tpu.memref_slice %arg2[%dma_wait3A, %mul3A_2] : memref<10x16384xf32, #tpu.memory_space<hbm>> -> memref<10x256xf32, #tpu.memory_space<hbm>>
    %dma_wait3A_22 = arith.constant 0 : i32
    %dma_wait3A_23 = tpu.memref_slice %arg2[%dma_wait3A_22, %mul3A_2] : memref<10x16384xf32, #tpu.memory_space<hbm>> -> memref<10x256xf32, #tpu.memory_space<hbm>>
    tpu.wait_dma2 semaphore(%arg12 : memref<!tpu.dma_semaphore, #tpu.memory_space<semaphore_mem>>) src(%dma_wait3A_23 : memref<10x256xf32, #tpu.memory_space<hbm>>) dst(%arg6 : memref<10x256xf32, #tpu.memory_space<vmem>>)
    %scan3A_24 = arith.constant 0 : i32
    %scan3A_25 = arith.constant 8 : i32
    %scan3A_26 = arith.addi %scan3A_24, %scan3A_25 : i32
    %scan3A_27 = arith.constant 1 : i32
    scf.for %scan3A_53 = %scan3A_24 to %scan3A_26 step %scan3A_27  : i32 {
      %mul3A_54 = arith.constant 2 : i32
      %mul3A_55 = arith.muli %scan3A_53, %mul3A_54 : i32
      %add3A_56 = arith.constant 0 : i32
      %add3A_57 = arith.addi %add3A_56, %mul3A_55 : i32
      %add3A_58 = arith.constant 0 : i32
      %add3A_59 = arith.addi %add3A_57, %add3A_58 : i32
      %mul3A_60 = arith.constant 16 : i32
      %mul3A_61 = arith.muli %add3A_59, %mul3A_60 : i32
      %get3A_62 = arith.constant 0 : i32
      %get3A_63 = arith.index_cast %get3A_62 : i32 to index
      %get3A_64 = arith.index_cast %mul3A_61 : i32 to index
      %get3A_65 = tpu.vector_load %arg6[%get3A_63, %get3A_64] {strides = array<i32>} : memref<10x256xf32, #tpu.memory_space<vmem>>, vector<16xf32>,
      %get3A_66 = arith.constant 1 : i32
      %get3A_67 = arith.index_cast %get3A_66 : i32 to index
      %get3A_68 = arith.index_cast %mul3A_61 : i32 to index
      %get3A_69 = tpu.vector_load %arg6[%get3A_67, %get3A_68] {strides = array<i32>} : memref<10x256xf32, #tpu.memory_space<vmem>>, vector<16xf32>,
      %get3A_70 = arith.constant 2 : i32
      %get3A_71 = arith.index_cast %get3A_70 : i32 to index
      %get3A_72 = arith.index_cast %mul3A_61 : i32 to index
      %get3A_73 = tpu.vector_load %arg6[%get3A_71, %get3A_72] {strides = array<i32>} : memref<10x256xf32, #tpu.memory_space<vmem>>, vector<16xf32>,
      %get3A_74 = arith.constant 3 : i32
      %get3A_75 = arith.index_cast %get3A_74 : i32 to index
      %get3A_76 = arith.index_cast %mul3A_61 : i32 to index
      %get3A_77 = tpu.vector_load %arg6[%get3A_75, %get3A_76] {strides = array<i32>} : memref<10x256xf32, #tpu.memory_space<vmem>>, vector<16xf32>,
      %get3A_78 = arith.constant 4 : i32
      %get3A_79 = arith.index_cast %get3A_78 : i32 to index
      %get3A_80 = arith.index_cast %mul3A_61 : i32 to index
      %get3A_81 = tpu.vector_load %arg6[%get3A_79, %get3A_80] {strides = array<i32>} : memref<10x256xf32, #tpu.memory_space<vmem>>, vector<16xf32>,
      %get3A_82 = arith.constant 5 : i32
      %get3A_83 = arith.index_cast %get3A_82 : i32 to index
      %get3A_84 = arith.index_cast %mul3A_61 : i32 to index
      %get3A_85 = tpu.vector_load %arg6[%get3A_83, %get3A_84] {strides = array<i32>} : memref<10x256xf32, #tpu.memory_space<vmem>>, vector<16xf32>,
      %get3A_86 = arith.constant 6 : i32
      %get3A_87 = arith.index_cast %get3A_86 : i32 to index
      %get3A_88 = arith.index_cast %mul3A_61 : i32 to index
      %get3A_89 = tpu.vector_load %arg6[%get3A_87, %get3A_88] {strides = array<i32>} : memref<10x256xf32, #tpu.memory_space<vmem>>, vector<16xf32>,
      %get3A_90 = arith.constant 7 : i32
      %get3A_91 = arith.index_cast %get3A_90 : i32 to index
      %get3A_92 = arith.index_cast %mul3A_61 : i32 to index
      %get3A_93 = tpu.vector_load %arg6[%get3A_91, %get3A_92] {strides = array<i32>} : memref<10x256xf32, #tpu.memory_space<vmem>>, vector<16xf32>,
      %get3A_94 = arith.constant 8 : i32
      %get3A_95 = arith.index_cast %get3A_94 : i32 to index
      %get3A_96 = arith.index_cast %mul3A_61 : i32 to index
      %get3A_97 = tpu.vector_load %arg6[%get3A_95, %get3A_96] {strides = array<i32>} : memref<10x256xf32, #tpu.memory_space<vmem>>, vector<16xf32>,
      %get3A_98 = arith.constant 9 : i32
      %get3A_99 = arith.index_cast %get3A_98 : i32 to index
      %get3A_100 = arith.index_cast %mul3A_61 : i32 to index
      %get3A_101 = tpu.vector_load %arg6[%get3A_99, %get3A_100] {strides = array<i32>} : memref<10x256xf32, #tpu.memory_space<vmem>>, vector<16xf32>,
      %max3A = arith.maximumf %get3A_65, %get3A_69 : vector<16xf32>
      %max3A_102 = arith.maximumf %get3A_73, %get3A_77 : vector<16xf32>
      %max3A_103 = arith.maximumf %get3A_81, %get3A_85 : vector<16xf32>
      %max3A_104 = arith.maximumf %get3A_89, %get3A_93 : vector<16xf32>
      %max3A_105 = arith.maximumf %get3A_97, %get3A_101 : vector<16xf32>
      %max3A_106 = arith.maximumf %max3A, %max3A_102 : vector<16xf32>
      %max3A_107 = arith.maximumf %max3A_103, %max3A_104 : vector<16xf32>
      %max3A_108 = arith.maximumf %max3A_106, %max3A_107 : vector<16xf32>
      %max3A_109 = arith.maximumf %max3A_108, %max3A_105 : vector<16xf32>
      %sub3A = arith.subf %get3A_65, %max3A_109 : vector<16xf32>
      %exp3A = math.exp %sub3A : vector<16xf32>
      %sub3A_110 = arith.subf %get3A_69, %max3A_109 : vector<16xf32>
      %exp3A_111 = math.exp %sub3A_110 : vector<16xf32>
      %sub3A_112 = arith.subf %get3A_73, %max3A_109 : vector<16xf32>
      %exp3A_113 = math.exp %sub3A_112 : vector<16xf32>
      %sub3A_114 = arith.subf %get3A_77, %max3A_109 : vector<16xf32>
      %exp3A_115 = math.exp %sub3A_114 : vector<16xf32>
      %sub3A_116 = arith.subf %get3A_81, %max3A_109 : vector<16xf32>
      %exp3A_117 = math.exp %sub3A_116 : vector<16xf32>
      %sub3A_118 = arith.subf %get3A_85, %max3A_109 : vector<16xf32>
      %exp3A_119 = math.exp %sub3A_118 : vector<16xf32>
      %sub3A_120 = arith.subf %get3A_89, %max3A_109 : vector<16xf32>
      %exp3A_121 = math.exp %sub3A_120 : vector<16xf32>
      %sub3A_122 = arith.subf %get3A_93, %max3A_109 : vector<16xf32>
      %exp3A_123 = math.exp %sub3A_122 : vector<16xf32>
      %sub3A_124 = arith.subf %get3A_97, %max3A_109 : vector<16xf32>
      %exp3A_125 = math.exp %sub3A_124 : vector<16xf32>
      %sub3A_126 = arith.subf %get3A_101, %max3A_109 : vector<16xf32>
      %exp3A_127 = math.exp %sub3A_126 : vector<16xf32>
      %add3A_128 = arith.addf %exp3A, %exp3A_111 : vector<16xf32>
      %add3A_129 = arith.addf %exp3A_113, %exp3A_115 : vector<16xf32>
      %add3A_130 = arith.addf %exp3A_117, %exp3A_119 : vector<16xf32>
      %add3A_131 = arith.addf %exp3A_121, %exp3A_123 : vector<16xf32>
      %add3A_132 = arith.addf %exp3A_125, %exp3A_127 : vector<16xf32>
      %add3A_133 = arith.addf %add3A_128, %add3A_129 : vector<16xf32>
      %add3A_134 = arith.addf %add3A_130, %add3A_131 : vector<16xf32>
      %add3A_135 = arith.addf %add3A_133, %add3A_134 : vector<16xf32>
      %add3A_136 = arith.addf %add3A_135, %add3A_132 : vector<16xf32>
      %mul3A_137 = arith.mulf %exp3A, %exp3A : vector<16xf32>
      %mul3A_138 = arith.mulf %exp3A_111, %exp3A_111 : vector<16xf32>
      %mul3A_139 = arith.mulf %exp3A_113, %exp3A_113 : vector<16xf32>
      %mul3A_140 = arith.mulf %exp3A_115, %exp3A_115 : vector<16xf32>
      %mul3A_141 = arith.mulf %exp3A_117, %exp3A_117 : vector<16xf32>
      %mul3A_142 = arith.mulf %exp3A_119, %exp3A_119 : vector<16xf32>
      %mul3A_143 = arith.mulf %exp3A_121, %exp3A_121 : vector<16xf32>
      %mul3A_144 = arith.mulf %exp3A_123, %exp3A_123 : vector<16xf32>
      %mul3A_145 = arith.mulf %exp3A_125, %exp3A_125 : vector<16xf32>
      %mul3A_146 = arith.mulf %exp3A_127, %exp3A_127 : vector<16xf32>
      %add3A_147 = arith.addf %mul3A_137, %mul3A_138 : vector<16xf32>
      %add3A_148 = arith.addf %mul3A_139, %mul3A_140 : vector<16xf32>
      %add3A_149 = arith.addf %mul3A_141, %mul3A_142 : vector<16xf32>
      %add3A_150 = arith.addf %mul3A_143, %mul3A_144 : vector<16xf32>
      %add3A_151 = arith.addf %mul3A_145, %mul3A_146 : vector<16xf32>
      %add3A_152 = arith.addf %add3A_147, %add3A_148 : vector<16xf32>
      %add3A_153 = arith.addf %add3A_149, %add3A_150 : vector<16xf32>
      %add3A_154 = arith.addf %add3A_152, %add3A_153 : vector<16xf32>
      %add3A_155 = arith.addf %add3A_154, %add3A_151 : vector<16xf32>
      %div3A = arith.constant 1.000000e+00 : f32
      %div3A_156 = vector.broadcast %div3A : f32 to vector<16xf32>
      %div3A_157 = arith.divf %div3A_156, %add3A_136 : vector<16xf32>
      %mul3A_158 = arith.mulf %add3A_155, %div3A_157 : vector<16xf32>
      %mul3A_159 = arith.mulf %mul3A_158, %div3A_157 : vector<16xf32>
      %swap3A_160 = arith.constant 96 : i32
      %swap3A_161 = arith.index_cast %swap3A_160 : i32 to index
      %swap3A_162 = arith.constant 0 : index
      %swap3A_163 = tpu.vector_load %arg10[%swap3A_161, %swap3A_162] {strides = array<i32>} : memref<98x16xf32, #tpu.memory_space<vmem>>, vector<16xf32>,
      tpu.vector_store %arg10[%swap3A_161, %swap3A_162], %mul3A_159 {add = true, strides = array<i32>} : memref<98x16xf32, #tpu.memory_space<vmem>>, vector<16xf32>,
      %div3A_164 = arith.divf %exp3A, %add3A_136 : vector<16xf32>
      %div3A_165 = arith.constant 0.0666666701 : f32
      %div3A_166 = vector.broadcast %div3A_165 : f32 to vector<16xf32>
      %div3A_167 = arith.divf %div3A_164, %div3A_166 : vector<16xf32>
      %convert_element_type3A_168 = arith.fptosi %div3A_167 : vector<16xf32> to vector<16xi32>
      %min3A = arith.constant 14 : i32
      %min3A_169 = vector.broadcast %min3A : i32 to vector<16xi32>
      %min3A_170 = arith.minsi %convert_element_type3A_168, %min3A_169 : vector<16xi32>
      %gather3A = tpu.vector_load_idx %arg9[%min3A_170] : memref<16xf32, #tpu.memory_space<vmem>>[vector<16xi32>], vector<16xf32>,
      %add3A_171 = arith.constant 1 : i32
      %add3A_172 = vector.broadcast %add3A_171 : i32 to vector<16xi32>
      %add3A_173 = arith.addi %min3A_170, %add3A_172 : vector<16xi32>
      %gather3A_174 = tpu.vector_load_idx %arg9[%add3A_173] : memref<16xf32, #tpu.memory_space<vmem>>[vector<16xi32>], vector<16xf32>,
      %le3A = arith.cmpf ole, %div3A_164, %gather3A : vector<16xf32>
      %convert_element_type3A_175 = arith.extui %le3A : vector<16xi1> to vector<16xi32>
      %sub3A_176 = arith.subi %min3A_170, %convert_element_type3A_175 : vector<16xi32>
      %gt3A = arith.cmpf ogt, %div3A_164, %gather3A_174 : vector<16xf32>
      %convert_element_type3A_177 = arith.extui %gt3A : vector<16xi1> to vector<16xi32>
      %add3A_178 = arith.addi %sub3A_176, %convert_element_type3A_177 : vector<16xi32>
      %add3A_179 = arith.constant 0 : i32
      %add3A_180 = vector.broadcast %add3A_179 : i32 to vector<16xi32>
      %add3A_181 = arith.addi %min3A_170, %add3A_180 : vector<16xi32>
      tpu.vector_store_idx %arg10[%add3A_181, %iota3A], %div3A_164 {add = true} : memref<98x16xf32, #tpu.memory_space<vmem>>[vector<16xi32>, vector<16xi32>], vector<16xf32>,
      %add3A_182 = arith.constant 16 : i32
      %add3A_183 = vector.broadcast %add3A_182 : i32 to vector<16xi32>
      %add3A_184 = arith.addi %min3A_170, %add3A_183 : vector<16xi32>
      tpu.vector_store_idx %arg10[%add3A_184, %iota3A], %broadcast_in_dim3A_20 {add = true} : memref<98x16xf32, #tpu.memory_space<vmem>>[vector<16xi32>, vector<16xi32>], vector<16xf32>,
      %add3A_185 = arith.constant 32 : i32
      %add3A_186 = vector.broadcast %add3A_185 : i32 to vector<16xi32>
      %add3A_187 = arith.addi %add3A_178, %add3A_186 : vector<16xi32>
      %ge3A = arith.constant 0 : i32
      %ge3A_188 = vector.broadcast %ge3A : i32 to vector<16xi32>
      %ge3A_189 = arith.cmpi sge, %add3A_178, %ge3A_188 : vector<16xi32>
      tpu.vector_store_idx %arg10[%add3A_187, %iota3A], %broadcast_in_dim3A_20 masked %ge3A_189 {add = true} : memref<98x16xf32, #tpu.memory_space<vmem>>[vector<16xi32>, vector<16xi32>], vector<16xf32>, vector<16xi1>
      %div3A_190 = arith.divf %exp3A_111, %add3A_136 : vector<16xf32>
      %div3A_191 = arith.constant 0.0666666701 : f32
      %div3A_192 = vector.broadcast %div3A_191 : f32 to vector<16xf32>
      %div3A_193 = arith.divf %div3A_190, %div3A_192 : vector<16xf32>
      %convert_element_type3A_194 = arith.fptosi %div3A_193 : vector<16xf32> to vector<16xi32>
      %min3A_195 = arith.constant 14 : i32
      %min3A_196 = vector.broadcast %min3A_195 : i32 to vector<16xi32>
      %min3A_197 = arith.minsi %convert_element_type3A_194, %min3A_196 : vector<16xi32>
      %gather3A_198 = tpu.vector_load_idx %arg9[%min3A_197] : memref<16xf32, #tpu.memory_space<vmem>>[vector<16xi32>], vector<16xf32>,
      %add3A_199 = arith.constant 1 : i32
      %add3A_200 = vector.broadcast %add3A_199 : i32 to vector<16xi32>
      %add3A_201 = arith.addi %min3A_197, %add3A_200 : vector<16xi32>
      %gather3A_202 = tpu.vector_load_idx %arg9[%add3A_201] : memref<16xf32, #tpu.memory_space<vmem>>[vector<16xi32>], vector<16xf32>,
      %le3A_203 = arith.cmpf ole, %div3A_190, %gather3A_198 : vector<16xf32>
      %convert_element_type3A_204 = arith.extui %le3A_203 : vector<16xi1> to vector<16xi32>
      %sub3A_205 = arith.subi %min3A_197, %convert_element_type3A_204 : vector<16xi32>
      %gt3A_206 = arith.cmpf ogt, %div3A_190, %gather3A_202 : vector<16xf32>
      %convert_element_type3A_207 = arith.extui %gt3A_206 : vector<16xi1> to vector<16xi32>
      %add3A_208 = arith.addi %sub3A_205, %convert_element_type3A_207 : vector<16xi32>
      %add3A_209 = arith.constant 48 : i32
      %add3A_210 = vector.broadcast %add3A_209 : i32 to vector<16xi32>
      %add3A_211 = arith.addi %min3A_197, %add3A_210 : vector<16xi32>
      tpu.vector_store_idx %arg10[%add3A_211, %iota3A], %div3A_190 {add = true} : memref<98x16xf32, #tpu.memory_space<vmem>>[vector<16xi32>, vector<16xi32>], vector<16xf32>,
      %add3A_212 = arith.constant 64 : i32
      %add3A_213 = vector.broadcast %add3A_212 : i32 to vector<16xi32>
      %add3A_214 = arith.addi %min3A_197, %add3A_213 : vector<16xi32>
      tpu.vector_store_idx %arg10[%add3A_214, %iota3A], %broadcast_in_dim3A_20 {add = true} : memref<98x16xf32, #tpu.memory_space<vmem>>[vector<16xi32>, vector<16xi32>], vector<16xf32>,
      %add3A_215 = arith.constant 80 : i32
      %add3A_216 = vector.broadcast %add3A_215 : i32 to vector<16xi32>
      %add3A_217 = arith.addi %add3A_208, %add3A_216 : vector<16xi32>
      %ge3A_218 = arith.constant 0 : i32
      %ge3A_219 = vector.broadcast %ge3A_218 : i32 to vector<16xi32>
      %ge3A_220 = arith.cmpi sge, %add3A_208, %ge3A_219 : vector<16xi32>
      tpu.vector_store_idx %arg10[%add3A_217, %iota3A], %broadcast_in_dim3A_20 masked %ge3A_220 {add = true} : memref<98x16xf32, #tpu.memory_space<vmem>>[vector<16xi32>, vector<16xi32>], vector<16xf32>, vector<16xi1>
      %add3A_221 = arith.constant 1 : i32
      %add3A_222 = arith.addi %add3A_57, %add3A_221 : i32
      %mul3A_223 = arith.constant 16 : i32
      %mul3A_224 = arith.muli %add3A_222, %mul3A_223 : i32
      %get3A_225 = arith.constant 0 : i32
      %get3A_226 = arith.index_cast %get3A_225 : i32 to index
      %get3A_227 = arith.index_cast %mul3A_224 : i32 to index
      %get3A_228 = tpu.vector_load %arg6[%get3A_226, %get3A_227] {strides = array<i32>} : memref<10x256xf32, #tpu.memory_space<vmem>>, vector<16xf32>,
      %get3A_229 = arith.constant 1 : i32
      %get3A_230 = arith.index_cast %get3A_229 : i32 to index
      %get3A_231 = arith.index_cast %mul3A_224 : i32 to index
      %get3A_232 = tpu.vector_load %arg6[%get3A_230, %get3A_231] {strides = array<i32>} : memref<10x256xf32, #tpu.memory_space<vmem>>, vector<16xf32>,
      %get3A_233 = arith.constant 2 : i32
      %get3A_234 = arith.index_cast %get3A_233 : i32 to index
      %get3A_235 = arith.index_cast %mul3A_224 : i32 to index
      %get3A_236 = tpu.vector_load %arg6[%get3A_234, %get3A_235] {strides = array<i32>} : memref<10x256xf32, #tpu.memory_space<vmem>>, vector<16xf32>,
      %get3A_237 = arith.constant 3 : i32
      %get3A_238 = arith.index_cast %get3A_237 : i32 to index
      %get3A_239 = arith.index_cast %mul3A_224 : i32 to index
      %get3A_240 = tpu.vector_load %arg6[%get3A_238, %get3A_239] {strides = array<i32>} : memref<10x256xf32, #tpu.memory_space<vmem>>, vector<16xf32>,
      %get3A_241 = arith.constant 4 : i32
      %get3A_242 = arith.index_cast %get3A_241 : i32 to index
      %get3A_243 = arith.index_cast %mul3A_224 : i32 to index
      %get3A_244 = tpu.vector_load %arg6[%get3A_242, %get3A_243] {strides = array<i32>} : memref<10x256xf32, #tpu.memory_space<vmem>>, vector<16xf32>,
      %get3A_245 = arith.constant 5 : i32
      %get3A_246 = arith.index_cast %get3A_245 : i32 to index
      %get3A_247 = arith.index_cast %mul3A_224 : i32 to index
      %get3A_248 = tpu.vector_load %arg6[%get3A_246, %get3A_247] {strides = array<i32>} : memref<10x256xf32, #tpu.memory_space<vmem>>, vector<16xf32>,
      %get3A_249 = arith.constant 6 : i32
      %get3A_250 = arith.index_cast %get3A_249 : i32 to index
      %get3A_251 = arith.index_cast %mul3A_224 : i32 to index
      %get3A_252 = tpu.vector_load %arg6[%get3A_250, %get3A_251] {strides = array<i32>} : memref<10x256xf32, #tpu.memory_space<vmem>>, vector<16xf32>,
      %get3A_253 = arith.constant 7 : i32
      %get3A_254 = arith.index_cast %get3A_253 : i32 to index
      %get3A_255 = arith.index_cast %mul3A_224 : i32 to index
      %get3A_256 = tpu.vector_load %arg6[%get3A_254, %get3A_255] {strides = array<i32>} : memref<10x256xf32, #tpu.memory_space<vmem>>, vector<16xf32>,
      %get3A_257 = arith.constant 8 : i32
      %get3A_258 = arith.index_cast %get3A_257 : i32 to index
      %get3A_259 = arith.index_cast %mul3A_224 : i32 to index
      %get3A_260 = tpu.vector_load %arg6[%get3A_258, %get3A_259] {strides = array<i32>} : memref<10x256xf32, #tpu.memory_space<vmem>>, vector<16xf32>,
      %get3A_261 = arith.constant 9 : i32
      %get3A_262 = arith.index_cast %get3A_261 : i32 to index
      %get3A_263 = arith.index_cast %mul3A_224 : i32 to index
      %get3A_264 = tpu.vector_load %arg6[%get3A_262, %get3A_263] {strides = array<i32>} : memref<10x256xf32, #tpu.memory_space<vmem>>, vector<16xf32>,
      %max3A_265 = arith.maximumf %get3A_228, %get3A_232 : vector<16xf32>
      %max3A_266 = arith.maximumf %get3A_236, %get3A_240 : vector<16xf32>
      %max3A_267 = arith.maximumf %get3A_244, %get3A_248 : vector<16xf32>
      %max3A_268 = arith.maximumf %get3A_252, %get3A_256 : vector<16xf32>
      %max3A_269 = arith.maximumf %get3A_260, %get3A_264 : vector<16xf32>
      %max3A_270 = arith.maximumf %max3A_265, %max3A_266 : vector<16xf32>
      %max3A_271 = arith.maximumf %max3A_267, %max3A_268 : vector<16xf32>
      %max3A_272 = arith.maximumf %max3A_270, %max3A_271 : vector<16xf32>
      %max3A_273 = arith.maximumf %max3A_272, %max3A_269 : vector<16xf32>
      %sub3A_274 = arith.subf %get3A_228, %max3A_273 : vector<16xf32>
      %exp3A_275 = math.exp %sub3A_274 : vector<16xf32>
      %sub3A_276 = arith.subf %get3A_232, %max3A_273 : vector<16xf32>
      %exp3A_277 = math.exp %sub3A_276 : vector<16xf32>
      %sub3A_278 = arith.subf %get3A_236, %max3A_273 : vector<16xf32>
      %exp3A_279 = math.exp %sub3A_278 : vector<16xf32>
      %sub3A_280 = arith.subf %get3A_240, %max3A_273 : vector<16xf32>
      %exp3A_281 = math.exp %sub3A_280 : vector<16xf32>
      %sub3A_282 = arith.subf %get3A_244, %max3A_273 : vector<16xf32>
      %exp3A_283 = math.exp %sub3A_282 : vector<16xf32>
      %sub3A_284 = arith.subf %get3A_248, %max3A_273 : vector<16xf32>
      %exp3A_285 = math.exp %sub3A_284 : vector<16xf32>
      %sub3A_286 = arith.subf %get3A_252, %max3A_273 : vector<16xf32>
      %exp3A_287 = math.exp %sub3A_286 : vector<16xf32>
      %sub3A_288 = arith.subf %get3A_256, %max3A_273 : vector<16xf32>
      %exp3A_289 = math.exp %sub3A_288 : vector<16xf32>
      %sub3A_290 = arith.subf %get3A_260, %max3A_273 : vector<16xf32>
      %exp3A_291 = math.exp %sub3A_290 : vector<16xf32>
      %sub3A_292 = arith.subf %get3A_264, %max3A_273 : vector<16xf32>
      %exp3A_293 = math.exp %sub3A_292 : vector<16xf32>
      %add3A_294 = arith.addf %exp3A_275, %exp3A_277 : vector<16xf32>
      %add3A_295 = arith.addf %exp3A_279, %exp3A_281 : vector<16xf32>
      %add3A_296 = arith.addf %exp3A_283, %exp3A_285 : vector<16xf32>
      %add3A_297 = arith.addf %exp3A_287, %exp3A_289 : vector<16xf32>
      %add3A_298 = arith.addf %exp3A_291, %exp3A_293 : vector<16xf32>
      %add3A_299 = arith.addf %add3A_294, %add3A_295 : vector<16xf32>
      %add3A_300 = arith.addf %add3A_296, %add3A_297 : vector<16xf32>
      %add3A_301 = arith.addf %add3A_299, %add3A_300 : vector<16xf32>
      %add3A_302 = arith.addf %add3A_301, %add3A_298 : vector<16xf32>
      %mul3A_303 = arith.mulf %exp3A_275, %exp3A_275 : vector<16xf32>
      %mul3A_304 = arith.mulf %exp3A_277, %exp3A_277 : vector<16xf32>
      %mul3A_305 = arith.mulf %exp3A_279, %exp3A_279 : vector<16xf32>
      %mul3A_306 = arith.mulf %exp3A_281, %exp3A_281 : vector<16xf32>
      %mul3A_307 = arith.mulf %exp3A_283, %exp3A_283 : vector<16xf32>
      %mul3A_308 = arith.mulf %exp3A_285, %exp3A_285 : vector<16xf32>
      %mul3A_309 = arith.mulf %exp3A_287, %exp3A_287 : vector<16xf32>
      %mul3A_310 = arith.mulf %exp3A_289, %exp3A_289 : vector<16xf32>
      %mul3A_311 = arith.mulf %exp3A_291, %exp3A_291 : vector<16xf32>
      %mul3A_312 = arith.mulf %exp3A_293, %exp3A_293 : vector<16xf32>
      %add3A_313 = arith.addf %mul3A_303, %mul3A_304 : vector<16xf32>
      %add3A_314 = arith.addf %mul3A_305, %mul3A_306 : vector<16xf32>
      %add3A_315 = arith.addf %mul3A_307, %mul3A_308 : vector<16xf32>
      %add3A_316 = arith.addf %mul3A_309, %mul3A_310 : vector<16xf32>
      %add3A_317 = arith.addf %mul3A_311, %mul3A_312 : vector<16xf32>
      %add3A_318 = arith.addf %add3A_313, %add3A_314 : vector<16xf32>
      %add3A_319 = arith.addf %add3A_315, %add3A_316 : vector<16xf32>
      %add3A_320 = arith.addf %add3A_318, %add3A_319 : vector<16xf32>
      %add3A_321 = arith.addf %add3A_320, %add3A_317 : vector<16xf32>
      %div3A_322 = arith.constant 1.000000e+00 : f32
      %div3A_323 = vector.broadcast %div3A_322 : f32 to vector<16xf32>
      %div3A_324 = arith.divf %div3A_323, %add3A_302 : vector<16xf32>
      %mul3A_325 = arith.mulf %add3A_321, %div3A_324 : vector<16xf32>
      %mul3A_326 = arith.mulf %mul3A_325, %div3A_324 : vector<16xf32>
      %swap3A_327 = arith.constant 96 : i32
      %swap3A_328 = arith.index_cast %swap3A_327 : i32 to index
      %swap3A_329 = arith.constant 0 : index
      %swap3A_330 = tpu.vector_load %arg10[%swap3A_328, %swap3A_329] {strides = array<i32>} : memref<98x16xf32, #tpu.memory_space<vmem>>, vector<16xf32>,
      tpu.vector_store %arg10[%swap3A_328, %swap3A_329], %mul3A_326 {add = true, strides = array<i32>} : memref<98x16xf32, #tpu.memory_space<vmem>>, vector<16xf32>,
      %div3A_331 = arith.divf %exp3A_275, %add3A_302 : vector<16xf32>
      %div3A_332 = arith.constant 0.0666666701 : f32
      %div3A_333 = vector.broadcast %div3A_332 : f32 to vector<16xf32>
      %div3A_334 = arith.divf %div3A_331, %div3A_333 : vector<16xf32>
      %convert_element_type3A_335 = arith.fptosi %div3A_334 : vector<16xf32> to vector<16xi32>
      %min3A_336 = arith.constant 14 : i32
      %min3A_337 = vector.broadcast %min3A_336 : i32 to vector<16xi32>
      %min3A_338 = arith.minsi %convert_element_type3A_335, %min3A_337 : vector<16xi32>
      %gather3A_339 = tpu.vector_load_idx %arg9[%min3A_338] : memref<16xf32, #tpu.memory_space<vmem>>[vector<16xi32>], vector<16xf32>,
      %add3A_340 = arith.constant 1 : i32
      %add3A_341 = vector.broadcast %add3A_340 : i32 to vector<16xi32>
      %add3A_342 = arith.addi %min3A_338, %add3A_341 : vector<16xi32>
      %gather3A_343 = tpu.vector_load_idx %arg9[%add3A_342] : memref<16xf32, #tpu.memory_space<vmem>>[vector<16xi32>], vector<16xf32>,
      %le3A_344 = arith.cmpf ole, %div3A_331, %gather3A_339 : vector<16xf32>
      %convert_element_type3A_345 = arith.extui %le3A_344 : vector<16xi1> to vector<16xi32>
      %sub3A_346 = arith.subi %min3A_338, %convert_element_type3A_345 : vector<16xi32>
      %gt3A_347 = arith.cmpf ogt, %div3A_331, %gather3A_343 : vector<16xf32>
      %convert_element_type3A_348 = arith.extui %gt3A_347 : vector<16xi1> to vector<16xi32>
      %add3A_349 = arith.addi %sub3A_346, %convert_element_type3A_348 : vector<16xi32>
      %add3A_350 = arith.constant 0 : i32
      %add3A_351 = vector.broadcast %add3A_350 : i32 to vector<16xi32>
      %add3A_352 = arith.addi %min3A_338, %add3A_351 : vector<16xi32>
      tpu.vector_store_idx %arg10[%add3A_352, %iota3A], %div3A_331 {add = true} : memref<98x16xf32, #tpu.memory_space<vmem>>[vector<16xi32>, vector<16xi32>], vector<16xf32>,
      %add3A_353 = arith.constant 16 : i32
      %add3A_354 = vector.broadcast %add3A_353 : i32 to vector<16xi32>
      %add3A_355 = arith.addi %min3A_338, %add3A_354 : vector<16xi32>
      tpu.vector_store_idx %arg10[%add3A_355, %iota3A], %broadcast_in_dim3A_20 {add = true} : memref<98x16xf32, #tpu.memory_space<vmem>>[vector<16xi32>, vector<16xi32>], vector<16xf32>,
      %add3A_356 = arith.constant 32 : i32
      %add3A_357 = vector.broadcast %add3A_356 : i32 to vector<16xi32>
      %add3A_358 = arith.addi %add3A_349, %add3A_357 : vector<16xi32>
      %ge3A_359 = arith.constant 0 : i32
      %ge3A_360 = vector.broadcast %ge3A_359 : i32 to vector<16xi32>
      %ge3A_361 = arith.cmpi sge, %add3A_349, %ge3A_360 : vector<16xi32>
      tpu.vector_store_idx %arg10[%add3A_358, %iota3A], %broadcast_in_dim3A_20 masked %ge3A_361 {add = true} : memref<98x16xf32, #tpu.memory_space<vmem>>[vector<16xi32>, vector<16xi32>], vector<16xf32>, vector<16xi1>
      %div3A_362 = arith.divf %exp3A_277, %add3A_302 : vector<16xf32>
      %div3A_363 = arith.constant 0.0666666701 : f32
      %div3A_364 = vector.broadcast %div3A_363 : f32 to vector<16xf32>
      %div3A_365 = arith.divf %div3A_362, %div3A_364 : vector<16xf32>
      %convert_element_type3A_366 = arith.fptosi %div3A_365 : vector<16xf32> to vector<16xi32>
      %min3A_367 = arith.constant 14 : i32
      %min3A_368 = vector.broadcast %min3A_367 : i32 to vector<16xi32>
      %min3A_369 = arith.minsi %convert_element_type3A_366, %min3A_368 : vector<16xi32>
      %gather3A_370 = tpu.vector_load_idx %arg9[%min3A_369] : memref<16xf32, #tpu.memory_space<vmem>>[vector<16xi32>], vector<16xf32>,
      %add3A_371 = arith.constant 1 : i32
      %add3A_372 = vector.broadcast %add3A_371 : i32 to vector<16xi32>
      %add3A_373 = arith.addi %min3A_369, %add3A_372 : vector<16xi32>
      %gather3A_374 = tpu.vector_load_idx %arg9[%add3A_373] : memref<16xf32, #tpu.memory_space<vmem>>[vector<16xi32>], vector<16xf32>,
      %le3A_375 = arith.cmpf ole, %div3A_362, %gather3A_370 : vector<16xf32>
      %convert_element_type3A_376 = arith.extui %le3A_375 : vector<16xi1> to vector<16xi32>
      %sub3A_377 = arith.subi %min3A_369, %convert_element_type3A_376 : vector<16xi32>
      %gt3A_378 = arith.cmpf ogt, %div3A_362, %gather3A_374 : vector<16xf32>
      %convert_element_type3A_379 = arith.extui %gt3A_378 : vector<16xi1> to vector<16xi32>
      %add3A_380 = arith.addi %sub3A_377, %convert_element_type3A_379 : vector<16xi32>
      %add3A_381 = arith.constant 48 : i32
      %add3A_382 = vector.broadcast %add3A_381 : i32 to vector<16xi32>
      %add3A_383 = arith.addi %min3A_369, %add3A_382 : vector<16xi32>
      tpu.vector_store_idx %arg10[%add3A_383, %iota3A], %div3A_362 {add = true} : memref<98x16xf32, #tpu.memory_space<vmem>>[vector<16xi32>, vector<16xi32>], vector<16xf32>,
      %add3A_384 = arith.constant 64 : i32
      %add3A_385 = vector.broadcast %add3A_384 : i32 to vector<16xi32>
      %add3A_386 = arith.addi %min3A_369, %add3A_385 : vector<16xi32>
      tpu.vector_store_idx %arg10[%add3A_386, %iota3A], %broadcast_in_dim3A_20 {add = true} : memref<98x16xf32, #tpu.memory_space<vmem>>[vector<16xi32>, vector<16xi32>], vector<16xf32>,
      %add3A_387 = arith.constant 80 : i32
      %add3A_388 = vector.broadcast %add3A_387 : i32 to vector<16xi32>
      %add3A_389 = arith.addi %add3A_380, %add3A_388 : vector<16xi32>
      %ge3A_390 = arith.constant 0 : i32
      %ge3A_391 = vector.broadcast %ge3A_390 : i32 to vector<16xi32>
      %ge3A_392 = arith.cmpi sge, %add3A_380, %ge3A_391 : vector<16xi32>
      tpu.vector_store_idx %arg10[%add3A_389, %iota3A], %broadcast_in_dim3A_20 masked %ge3A_392 {add = true} : memref<98x16xf32, #tpu.memory_space<vmem>>[vector<16xi32>, vector<16xi32>], vector<16xf32>, vector<16xi1>
    }
    %scan3A_28 = arith.constant 8 : i32
    %dma_wait3A_29 = arith.constant 0 : i32
    %dma_wait3A_30 = tpu.memref_slice %arg2[%dma_wait3A_29, %add3A_7] : memref<10x16384xf32, #tpu.memory_space<hbm>> -> memref<10x256xf32, #tpu.memory_space<hbm>>
    %dma_wait3A_31 = arith.constant 0 : i32
    %dma_wait3A_32 = tpu.memref_slice %arg2[%dma_wait3A_31, %add3A_7] : memref<10x16384xf32, #tpu.memory_space<hbm>> -> memref<10x256xf32, #tpu.memory_space<hbm>>
    tpu.wait_dma2 semaphore(%arg13 : memref<!tpu.dma_semaphore, #tpu.memory_space<semaphore_mem>>) src(%dma_wait3A_32 : memref<10x256xf32, #tpu.memory_space<hbm>>) dst(%arg7 : memref<10x256xf32, #tpu.memory_space<vmem>>)
    %scan3A_33 = arith.constant 0 : i32
    %scan3A_34 = arith.constant 8 : i32
    %scan3A_35 = arith.addi %scan3A_33, %scan3A_34 : i32
    %scan3A_36 = arith.constant 1 : i32
    scf.for %scan3A_53 = %scan3A_33 to %scan3A_35 step %scan3A_36  : i32 {
      %mul3A_54 = arith.constant 2 : i32
      %mul3A_55 = arith.muli %scan3A_53, %mul3A_54 : i32
      %add3A_56 = arith.constant 0 : i32
      %add3A_57 = arith.addi %add3A_56, %mul3A_55 : i32
      %add3A_58 = arith.constant 0 : i32
      %add3A_59 = arith.addi %add3A_57, %add3A_58 : i32
      %mul3A_60 = arith.constant 16 : i32
      %mul3A_61 = arith.muli %add3A_59, %mul3A_60 : i32
      %get3A_62 = arith.constant 0 : i32
      %get3A_63 = arith.index_cast %get3A_62 : i32 to index
      %get3A_64 = arith.index_cast %mul3A_61 : i32 to index
      %get3A_65 = tpu.vector_load %arg7[%get3A_63, %get3A_64] {strides = array<i32>} : memref<10x256xf32, #tpu.memory_space<vmem>>, vector<16xf32>,
      %get3A_66 = arith.constant 1 : i32
      %get3A_67 = arith.index_cast %get3A_66 : i32 to index
      %get3A_68 = arith.index_cast %mul3A_61 : i32 to index
      %get3A_69 = tpu.vector_load %arg7[%get3A_67, %get3A_68] {strides = array<i32>} : memref<10x256xf32, #tpu.memory_space<vmem>>, vector<16xf32>,
      %get3A_70 = arith.constant 2 : i32
      %get3A_71 = arith.index_cast %get3A_70 : i32 to index
      %get3A_72 = arith.index_cast %mul3A_61 : i32 to index
      %get3A_73 = tpu.vector_load %arg7[%get3A_71, %get3A_72] {strides = array<i32>} : memref<10x256xf32, #tpu.memory_space<vmem>>, vector<16xf32>,
      %get3A_74 = arith.constant 3 : i32
      %get3A_75 = arith.index_cast %get3A_74 : i32 to index
      %get3A_76 = arith.index_cast %mul3A_61 : i32 to index
      %get3A_77 = tpu.vector_load %arg7[%get3A_75, %get3A_76] {strides = array<i32>} : memref<10x256xf32, #tpu.memory_space<vmem>>, vector<16xf32>,
      %get3A_78 = arith.constant 4 : i32
      %get3A_79 = arith.index_cast %get3A_78 : i32 to index
      %get3A_80 = arith.index_cast %mul3A_61 : i32 to index
      %get3A_81 = tpu.vector_load %arg7[%get3A_79, %get3A_80] {strides = array<i32>} : memref<10x256xf32, #tpu.memory_space<vmem>>, vector<16xf32>,
      %get3A_82 = arith.constant 5 : i32
      %get3A_83 = arith.index_cast %get3A_82 : i32 to index
      %get3A_84 = arith.index_cast %mul3A_61 : i32 to index
      %get3A_85 = tpu.vector_load %arg7[%get3A_83, %get3A_84] {strides = array<i32>} : memref<10x256xf32, #tpu.memory_space<vmem>>, vector<16xf32>,
      %get3A_86 = arith.constant 6 : i32
      %get3A_87 = arith.index_cast %get3A_86 : i32 to index
      %get3A_88 = arith.index_cast %mul3A_61 : i32 to index
      %get3A_89 = tpu.vector_load %arg7[%get3A_87, %get3A_88] {strides = array<i32>} : memref<10x256xf32, #tpu.memory_space<vmem>>, vector<16xf32>,
      %get3A_90 = arith.constant 7 : i32
      %get3A_91 = arith.index_cast %get3A_90 : i32 to index
      %get3A_92 = arith.index_cast %mul3A_61 : i32 to index
      %get3A_93 = tpu.vector_load %arg7[%get3A_91, %get3A_92] {strides = array<i32>} : memref<10x256xf32, #tpu.memory_space<vmem>>, vector<16xf32>,
      %get3A_94 = arith.constant 8 : i32
      %get3A_95 = arith.index_cast %get3A_94 : i32 to index
      %get3A_96 = arith.index_cast %mul3A_61 : i32 to index
      %get3A_97 = tpu.vector_load %arg7[%get3A_95, %get3A_96] {strides = array<i32>} : memref<10x256xf32, #tpu.memory_space<vmem>>, vector<16xf32>,
      %get3A_98 = arith.constant 9 : i32
      %get3A_99 = arith.index_cast %get3A_98 : i32 to index
      %get3A_100 = arith.index_cast %mul3A_61 : i32 to index
      %get3A_101 = tpu.vector_load %arg7[%get3A_99, %get3A_100] {strides = array<i32>} : memref<10x256xf32, #tpu.memory_space<vmem>>, vector<16xf32>,
      %max3A = arith.maximumf %get3A_65, %get3A_69 : vector<16xf32>
      %max3A_102 = arith.maximumf %get3A_73, %get3A_77 : vector<16xf32>
      %max3A_103 = arith.maximumf %get3A_81, %get3A_85 : vector<16xf32>
      %max3A_104 = arith.maximumf %get3A_89, %get3A_93 : vector<16xf32>
      %max3A_105 = arith.maximumf %get3A_97, %get3A_101 : vector<16xf32>
      %max3A_106 = arith.maximumf %max3A, %max3A_102 : vector<16xf32>
      %max3A_107 = arith.maximumf %max3A_103, %max3A_104 : vector<16xf32>
      %max3A_108 = arith.maximumf %max3A_106, %max3A_107 : vector<16xf32>
      %max3A_109 = arith.maximumf %max3A_108, %max3A_105 : vector<16xf32>
      %sub3A = arith.subf %get3A_65, %max3A_109 : vector<16xf32>
      %exp3A = math.exp %sub3A : vector<16xf32>
      %sub3A_110 = arith.subf %get3A_69, %max3A_109 : vector<16xf32>
      %exp3A_111 = math.exp %sub3A_110 : vector<16xf32>
      %sub3A_112 = arith.subf %get3A_73, %max3A_109 : vector<16xf32>
      %exp3A_113 = math.exp %sub3A_112 : vector<16xf32>
      %sub3A_114 = arith.subf %get3A_77, %max3A_109 : vector<16xf32>
      %exp3A_115 = math.exp %sub3A_114 : vector<16xf32>
      %sub3A_116 = arith.subf %get3A_81, %max3A_109 : vector<16xf32>
      %exp3A_117 = math.exp %sub3A_116 : vector<16xf32>
      %sub3A_118 = arith.subf %get3A_85, %max3A_109 : vector<16xf32>
      %exp3A_119 = math.exp %sub3A_118 : vector<16xf32>
      %sub3A_120 = arith.subf %get3A_89, %max3A_109 : vector<16xf32>
      %exp3A_121 = math.exp %sub3A_120 : vector<16xf32>
      %sub3A_122 = arith.subf %get3A_93, %max3A_109 : vector<16xf32>
      %exp3A_123 = math.exp %sub3A_122 : vector<16xf32>
      %sub3A_124 = arith.subf %get3A_97, %max3A_109 : vector<16xf32>
      %exp3A_125 = math.exp %sub3A_124 : vector<16xf32>
      %sub3A_126 = arith.subf %get3A_101, %max3A_109 : vector<16xf32>
      %exp3A_127 = math.exp %sub3A_126 : vector<16xf32>
      %add3A_128 = arith.addf %exp3A, %exp3A_111 : vector<16xf32>
      %add3A_129 = arith.addf %exp3A_113, %exp3A_115 : vector<16xf32>
      %add3A_130 = arith.addf %exp3A_117, %exp3A_119 : vector<16xf32>
      %add3A_131 = arith.addf %exp3A_121, %exp3A_123 : vector<16xf32>
      %add3A_132 = arith.addf %exp3A_125, %exp3A_127 : vector<16xf32>
      %add3A_133 = arith.addf %add3A_128, %add3A_129 : vector<16xf32>
      %add3A_134 = arith.addf %add3A_130, %add3A_131 : vector<16xf32>
      %add3A_135 = arith.addf %add3A_133, %add3A_134 : vector<16xf32>
      %add3A_136 = arith.addf %add3A_135, %add3A_132 : vector<16xf32>
      %mul3A_137 = arith.mulf %exp3A, %exp3A : vector<16xf32>
      %mul3A_138 = arith.mulf %exp3A_111, %exp3A_111 : vector<16xf32>
      %mul3A_139 = arith.mulf %exp3A_113, %exp3A_113 : vector<16xf32>
      %mul3A_140 = arith.mulf %exp3A_115, %exp3A_115 : vector<16xf32>
      %mul3A_141 = arith.mulf %exp3A_117, %exp3A_117 : vector<16xf32>
      %mul3A_142 = arith.mulf %exp3A_119, %exp3A_119 : vector<16xf32>
      %mul3A_143 = arith.mulf %exp3A_121, %exp3A_121 : vector<16xf32>
      %mul3A_144 = arith.mulf %exp3A_123, %exp3A_123 : vector<16xf32>
      %mul3A_145 = arith.mulf %exp3A_125, %exp3A_125 : vector<16xf32>
      %mul3A_146 = arith.mulf %exp3A_127, %exp3A_127 : vector<16xf32>
      %add3A_147 = arith.addf %mul3A_137, %mul3A_138 : vector<16xf32>
      %add3A_148 = arith.addf %mul3A_139, %mul3A_140 : vector<16xf32>
      %add3A_149 = arith.addf %mul3A_141, %mul3A_142 : vector<16xf32>
      %add3A_150 = arith.addf %mul3A_143, %mul3A_144 : vector<16xf32>
      %add3A_151 = arith.addf %mul3A_145, %mul3A_146 : vector<16xf32>
      %add3A_152 = arith.addf %add3A_147, %add3A_148 : vector<16xf32>
      %add3A_153 = arith.addf %add3A_149, %add3A_150 : vector<16xf32>
      %add3A_154 = arith.addf %add3A_152, %add3A_153 : vector<16xf32>
      %add3A_155 = arith.addf %add3A_154, %add3A_151 : vector<16xf32>
      %div3A = arith.constant 1.000000e+00 : f32
      %div3A_156 = vector.broadcast %div3A : f32 to vector<16xf32>
      %div3A_157 = arith.divf %div3A_156, %add3A_136 : vector<16xf32>
      %mul3A_158 = arith.mulf %add3A_155, %div3A_157 : vector<16xf32>
      %mul3A_159 = arith.mulf %mul3A_158, %div3A_157 : vector<16xf32>
      %swap3A_160 = arith.constant 96 : i32
      %swap3A_161 = arith.index_cast %swap3A_160 : i32 to index
      %swap3A_162 = arith.constant 0 : index
      %swap3A_163 = tpu.vector_load %arg10[%swap3A_161, %swap3A_162] {strides = array<i32>} : memref<98x16xf32, #tpu.memory_space<vmem>>, vector<16xf32>,
      tpu.vector_store %arg10[%swap3A_161, %swap3A_162], %mul3A_159 {add = true, strides = array<i32>} : memref<98x16xf32, #tpu.memory_space<vmem>>, vector<16xf32>,
      %div3A_164 = arith.divf %exp3A, %add3A_136 : vector<16xf32>
      %div3A_165 = arith.constant 0.0666666701 : f32
      %div3A_166 = vector.broadcast %div3A_165 : f32 to vector<16xf32>
      %div3A_167 = arith.divf %div3A_164, %div3A_166 : vector<16xf32>
      %convert_element_type3A_168 = arith.fptosi %div3A_167 : vector<16xf32> to vector<16xi32>
      %min3A = arith.constant 14 : i32
      %min3A_169 = vector.broadcast %min3A : i32 to vector<16xi32>
      %min3A_170 = arith.minsi %convert_element_type3A_168, %min3A_169 : vector<16xi32>
      %gather3A = tpu.vector_load_idx %arg9[%min3A_170] : memref<16xf32, #tpu.memory_space<vmem>>[vector<16xi32>], vector<16xf32>,
      %add3A_171 = arith.constant 1 : i32
      %add3A_172 = vector.broadcast %add3A_171 : i32 to vector<16xi32>
      %add3A_173 = arith.addi %min3A_170, %add3A_172 : vector<16xi32>
      %gather3A_174 = tpu.vector_load_idx %arg9[%add3A_173] : memref<16xf32, #tpu.memory_space<vmem>>[vector<16xi32>], vector<16xf32>,
      %le3A = arith.cmpf ole, %div3A_164, %gather3A : vector<16xf32>
      %convert_element_type3A_175 = arith.extui %le3A : vector<16xi1> to vector<16xi32>
      %sub3A_176 = arith.subi %min3A_170, %convert_element_type3A_175 : vector<16xi32>
      %gt3A = arith.cmpf ogt, %div3A_164, %gather3A_174 : vector<16xf32>
      %convert_element_type3A_177 = arith.extui %gt3A : vector<16xi1> to vector<16xi32>
      %add3A_178 = arith.addi %sub3A_176, %convert_element_type3A_177 : vector<16xi32>
      %add3A_179 = arith.constant 0 : i32
      %add3A_180 = vector.broadcast %add3A_179 : i32 to vector<16xi32>
      %add3A_181 = arith.addi %min3A_170, %add3A_180 : vector<16xi32>
      tpu.vector_store_idx %arg10[%add3A_181, %iota3A], %div3A_164 {add = true} : memref<98x16xf32, #tpu.memory_space<vmem>>[vector<16xi32>, vector<16xi32>], vector<16xf32>,
      %add3A_182 = arith.constant 16 : i32
      %add3A_183 = vector.broadcast %add3A_182 : i32 to vector<16xi32>
      %add3A_184 = arith.addi %min3A_170, %add3A_183 : vector<16xi32>
      tpu.vector_store_idx %arg10[%add3A_184, %iota3A], %broadcast_in_dim3A_20 {add = true} : memref<98x16xf32, #tpu.memory_space<vmem>>[vector<16xi32>, vector<16xi32>], vector<16xf32>,
      %add3A_185 = arith.constant 32 : i32
      %add3A_186 = vector.broadcast %add3A_185 : i32 to vector<16xi32>
      %add3A_187 = arith.addi %add3A_178, %add3A_186 : vector<16xi32>
      %ge3A = arith.constant 0 : i32
      %ge3A_188 = vector.broadcast %ge3A : i32 to vector<16xi32>
      %ge3A_189 = arith.cmpi sge, %add3A_178, %ge3A_188 : vector<16xi32>
      tpu.vector_store_idx %arg10[%add3A_187, %iota3A], %broadcast_in_dim3A_20 masked %ge3A_189 {add = true} : memref<98x16xf32, #tpu.memory_space<vmem>>[vector<16xi32>, vector<16xi32>], vector<16xf32>, vector<16xi1>
      %div3A_190 = arith.divf %exp3A_111, %add3A_136 : vector<16xf32>
      %div3A_191 = arith.constant 0.0666666701 : f32
      %div3A_192 = vector.broadcast %div3A_191 : f32 to vector<16xf32>
      %div3A_193 = arith.divf %div3A_190, %div3A_192 : vector<16xf32>
      %convert_element_type3A_194 = arith.fptosi %div3A_193 : vector<16xf32> to vector<16xi32>
      %min3A_195 = arith.constant 14 : i32
      %min3A_196 = vector.broadcast %min3A_195 : i32 to vector<16xi32>
      %min3A_197 = arith.minsi %convert_element_type3A_194, %min3A_196 : vector<16xi32>
      %gather3A_198 = tpu.vector_load_idx %arg9[%min3A_197] : memref<16xf32, #tpu.memory_space<vmem>>[vector<16xi32>], vector<16xf32>,
      %add3A_199 = arith.constant 1 : i32
      %add3A_200 = vector.broadcast %add3A_199 : i32 to vector<16xi32>
      %add3A_201 = arith.addi %min3A_197, %add3A_200 : vector<16xi32>
      %gather3A_202 = tpu.vector_load_idx %arg9[%add3A_201] : memref<16xf32, #tpu.memory_space<vmem>>[vector<16xi32>], vector<16xf32>,
      %le3A_203 = arith.cmpf ole, %div3A_190, %gather3A_198 : vector<16xf32>
      %convert_element_type3A_204 = arith.extui %le3A_203 : vector<16xi1> to vector<16xi32>
      %sub3A_205 = arith.subi %min3A_197, %convert_element_type3A_204 : vector<16xi32>
      %gt3A_206 = arith.cmpf ogt, %div3A_190, %gather3A_202 : vector<16xf32>
      %convert_element_type3A_207 = arith.extui %gt3A_206 : vector<16xi1> to vector<16xi32>
      %add3A_208 = arith.addi %sub3A_205, %convert_element_type3A_207 : vector<16xi32>
      %add3A_209 = arith.constant 48 : i32
      %add3A_210 = vector.broadcast %add3A_209 : i32 to vector<16xi32>
      %add3A_211 = arith.addi %min3A_197, %add3A_210 : vector<16xi32>
      tpu.vector_store_idx %arg10[%add3A_211, %iota3A], %div3A_190 {add = true} : memref<98x16xf32, #tpu.memory_space<vmem>>[vector<16xi32>, vector<16xi32>], vector<16xf32>,
      %add3A_212 = arith.constant 64 : i32
      %add3A_213 = vector.broadcast %add3A_212 : i32 to vector<16xi32>
      %add3A_214 = arith.addi %min3A_197, %add3A_213 : vector<16xi32>
      tpu.vector_store_idx %arg10[%add3A_214, %iota3A], %broadcast_in_dim3A_20 {add = true} : memref<98x16xf32, #tpu.memory_space<vmem>>[vector<16xi32>, vector<16xi32>], vector<16xf32>,
      %add3A_215 = arith.constant 80 : i32
      %add3A_216 = vector.broadcast %add3A_215 : i32 to vector<16xi32>
      %add3A_217 = arith.addi %add3A_208, %add3A_216 : vector<16xi32>
      %ge3A_218 = arith.constant 0 : i32
      %ge3A_219 = vector.broadcast %ge3A_218 : i32 to vector<16xi32>
      %ge3A_220 = arith.cmpi sge, %add3A_208, %ge3A_219 : vector<16xi32>
      tpu.vector_store_idx %arg10[%add3A_217, %iota3A], %broadcast_in_dim3A_20 masked %ge3A_220 {add = true} : memref<98x16xf32, #tpu.memory_space<vmem>>[vector<16xi32>, vector<16xi32>], vector<16xf32>, vector<16xi1>
      %add3A_221 = arith.constant 1 : i32
      %add3A_222 = arith.addi %add3A_57, %add3A_221 : i32
      %mul3A_223 = arith.constant 16 : i32
      %mul3A_224 = arith.muli %add3A_222, %mul3A_223 : i32
      %get3A_225 = arith.constant 0 : i32
      %get3A_226 = arith.index_cast %get3A_225 : i32 to index
      %get3A_227 = arith.index_cast %mul3A_224 : i32 to index
      %get3A_228 = tpu.vector_load %arg7[%get3A_226, %get3A_227] {strides = array<i32>} : memref<10x256xf32, #tpu.memory_space<vmem>>, vector<16xf32>,
      %get3A_229 = arith.constant 1 : i32
      %get3A_230 = arith.index_cast %get3A_229 : i32 to index
      %get3A_231 = arith.index_cast %mul3A_224 : i32 to index
      %get3A_232 = tpu.vector_load %arg7[%get3A_230, %get3A_231] {strides = array<i32>} : memref<10x256xf32, #tpu.memory_space<vmem>>, vector<16xf32>,
      %get3A_233 = arith.constant 2 : i32
      %get3A_234 = arith.index_cast %get3A_233 : i32 to index
      %get3A_235 = arith.index_cast %mul3A_224 : i32 to index
      %get3A_236 = tpu.vector_load %arg7[%get3A_234, %get3A_235] {strides = array<i32>} : memref<10x256xf32, #tpu.memory_space<vmem>>, vector<16xf32>,
      %get3A_237 = arith.constant 3 : i32
      %get3A_238 = arith.index_cast %get3A_237 : i32 to index
      %get3A_239 = arith.index_cast %mul3A_224 : i32 to index
      %get3A_240 = tpu.vector_load %arg7[%get3A_238, %get3A_239] {strides = array<i32>} : memref<10x256xf32, #tpu.memory_space<vmem>>, vector<16xf32>,
      %get3A_241 = arith.constant 4 : i32
      %get3A_242 = arith.index_cast %get3A_241 : i32 to index
      %get3A_243 = arith.index_cast %mul3A_224 : i32 to index
      %get3A_244 = tpu.vector_load %arg7[%get3A_242, %get3A_243] {strides = array<i32>} : memref<10x256xf32, #tpu.memory_space<vmem>>, vector<16xf32>,
      %get3A_245 = arith.constant 5 : i32
      %get3A_246 = arith.index_cast %get3A_245 : i32 to index
      %get3A_247 = arith.index_cast %mul3A_224 : i32 to index
      %get3A_248 = tpu.vector_load %arg7[%get3A_246, %get3A_247] {strides = array<i32>} : memref<10x256xf32, #tpu.memory_space<vmem>>, vector<16xf32>,
      %get3A_249 = arith.constant 6 : i32
      %get3A_250 = arith.index_cast %get3A_249 : i32 to index
      %get3A_251 = arith.index_cast %mul3A_224 : i32 to index
      %get3A_252 = tpu.vector_load %arg7[%get3A_250, %get3A_251] {strides = array<i32>} : memref<10x256xf32, #tpu.memory_space<vmem>>, vector<16xf32>,
      %get3A_253 = arith.constant 7 : i32
      %get3A_254 = arith.index_cast %get3A_253 : i32 to index
      %get3A_255 = arith.index_cast %mul3A_224 : i32 to index
      %get3A_256 = tpu.vector_load %arg7[%get3A_254, %get3A_255] {strides = array<i32>} : memref<10x256xf32, #tpu.memory_space<vmem>>, vector<16xf32>,
      %get3A_257 = arith.constant 8 : i32
      %get3A_258 = arith.index_cast %get3A_257 : i32 to index
      %get3A_259 = arith.index_cast %mul3A_224 : i32 to index
      %get3A_260 = tpu.vector_load %arg7[%get3A_258, %get3A_259] {strides = array<i32>} : memref<10x256xf32, #tpu.memory_space<vmem>>, vector<16xf32>,
      %get3A_261 = arith.constant 9 : i32
      %get3A_262 = arith.index_cast %get3A_261 : i32 to index
      %get3A_263 = arith.index_cast %mul3A_224 : i32 to index
      %get3A_264 = tpu.vector_load %arg7[%get3A_262, %get3A_263] {strides = array<i32>} : memref<10x256xf32, #tpu.memory_space<vmem>>, vector<16xf32>,
      %max3A_265 = arith.maximumf %get3A_228, %get3A_232 : vector<16xf32>
      %max3A_266 = arith.maximumf %get3A_236, %get3A_240 : vector<16xf32>
      %max3A_267 = arith.maximumf %get3A_244, %get3A_248 : vector<16xf32>
      %max3A_268 = arith.maximumf %get3A_252, %get3A_256 : vector<16xf32>
      %max3A_269 = arith.maximumf %get3A_260, %get3A_264 : vector<16xf32>
      %max3A_270 = arith.maximumf %max3A_265, %max3A_266 : vector<16xf32>
      %max3A_271 = arith.maximumf %max3A_267, %max3A_268 : vector<16xf32>
      %max3A_272 = arith.maximumf %max3A_270, %max3A_271 : vector<16xf32>
      %max3A_273 = arith.maximumf %max3A_272, %max3A_269 : vector<16xf32>
      %sub3A_274 = arith.subf %get3A_228, %max3A_273 : vector<16xf32>
      %exp3A_275 = math.exp %sub3A_274 : vector<16xf32>
      %sub3A_276 = arith.subf %get3A_232, %max3A_273 : vector<16xf32>
      %exp3A_277 = math.exp %sub3A_276 : vector<16xf32>
      %sub3A_278 = arith.subf %get3A_236, %max3A_273 : vector<16xf32>
      %exp3A_279 = math.exp %sub3A_278 : vector<16xf32>
      %sub3A_280 = arith.subf %get3A_240, %max3A_273 : vector<16xf32>
      %exp3A_281 = math.exp %sub3A_280 : vector<16xf32>
      %sub3A_282 = arith.subf %get3A_244, %max3A_273 : vector<16xf32>
      %exp3A_283 = math.exp %sub3A_282 : vector<16xf32>
      %sub3A_284 = arith.subf %get3A_248, %max3A_273 : vector<16xf32>
      %exp3A_285 = math.exp %sub3A_284 : vector<16xf32>
      %sub3A_286 = arith.subf %get3A_252, %max3A_273 : vector<16xf32>
      %exp3A_287 = math.exp %sub3A_286 : vector<16xf32>
      %sub3A_288 = arith.subf %get3A_256, %max3A_273 : vector<16xf32>
      %exp3A_289 = math.exp %sub3A_288 : vector<16xf32>
      %sub3A_290 = arith.subf %get3A_260, %max3A_273 : vector<16xf32>
      %exp3A_291 = math.exp %sub3A_290 : vector<16xf32>
      %sub3A_292 = arith.subf %get3A_264, %max3A_273 : vector<16xf32>
      %exp3A_293 = math.exp %sub3A_292 : vector<16xf32>
      %add3A_294 = arith.addf %exp3A_275, %exp3A_277 : vector<16xf32>
      %add3A_295 = arith.addf %exp3A_279, %exp3A_281 : vector<16xf32>
      %add3A_296 = arith.addf %exp3A_283, %exp3A_285 : vector<16xf32>
      %add3A_297 = arith.addf %exp3A_287, %exp3A_289 : vector<16xf32>
      %add3A_298 = arith.addf %exp3A_291, %exp3A_293 : vector<16xf32>
      %add3A_299 = arith.addf %add3A_294, %add3A_295 : vector<16xf32>
      %add3A_300 = arith.addf %add3A_296, %add3A_297 : vector<16xf32>
      %add3A_301 = arith.addf %add3A_299, %add3A_300 : vector<16xf32>
      %add3A_302 = arith.addf %add3A_301, %add3A_298 : vector<16xf32>
      %mul3A_303 = arith.mulf %exp3A_275, %exp3A_275 : vector<16xf32>
      %mul3A_304 = arith.mulf %exp3A_277, %exp3A_277 : vector<16xf32>
      %mul3A_305 = arith.mulf %exp3A_279, %exp3A_279 : vector<16xf32>
      %mul3A_306 = arith.mulf %exp3A_281, %exp3A_281 : vector<16xf32>
      %mul3A_307 = arith.mulf %exp3A_283, %exp3A_283 : vector<16xf32>
      %mul3A_308 = arith.mulf %exp3A_285, %exp3A_285 : vector<16xf32>
      %mul3A_309 = arith.mulf %exp3A_287, %exp3A_287 : vector<16xf32>
      %mul3A_310 = arith.mulf %exp3A_289, %exp3A_289 : vector<16xf32>
      %mul3A_311 = arith.mulf %exp3A_291, %exp3A_291 : vector<16xf32>
      %mul3A_312 = arith.mulf %exp3A_293, %exp3A_293 : vector<16xf32>
      %add3A_313 = arith.addf %mul3A_303, %mul3A_304 : vector<16xf32>
      %add3A_314 = arith.addf %mul3A_305, %mul3A_306 : vector<16xf32>
      %add3A_315 = arith.addf %mul3A_307, %mul3A_308 : vector<16xf32>
      %add3A_316 = arith.addf %mul3A_309, %mul3A_310 : vector<16xf32>
      %add3A_317 = arith.addf %mul3A_311, %mul3A_312 : vector<16xf32>
      %add3A_318 = arith.addf %add3A_313, %add3A_314 : vector<16xf32>
      %add3A_319 = arith.addf %add3A_315, %add3A_316 : vector<16xf32>
      %add3A_320 = arith.addf %add3A_318, %add3A_319 : vector<16xf32>
      %add3A_321 = arith.addf %add3A_320, %add3A_317 : vector<16xf32>
      %div3A_322 = arith.constant 1.000000e+00 : f32
      %div3A_323 = vector.broadcast %div3A_322 : f32 to vector<16xf32>
      %div3A_324 = arith.divf %div3A_323, %add3A_302 : vector<16xf32>
      %mul3A_325 = arith.mulf %add3A_321, %div3A_324 : vector<16xf32>
      %mul3A_326 = arith.mulf %mul3A_325, %div3A_324 : vector<16xf32>
      %swap3A_327 = arith.constant 96 : i32
      %swap3A_328 = arith.index_cast %swap3A_327 : i32 to index
      %swap3A_329 = arith.constant 0 : index
      %swap3A_330 = tpu.vector_load %arg10[%swap3A_328, %swap3A_329] {strides = array<i32>} : memref<98x16xf32, #tpu.memory_space<vmem>>, vector<16xf32>,
      tpu.vector_store %arg10[%swap3A_328, %swap3A_329], %mul3A_326 {add = true, strides = array<i32>} : memref<98x16xf32, #tpu.memory_space<vmem>>, vector<16xf32>,
      %div3A_331 = arith.divf %exp3A_275, %add3A_302 : vector<16xf32>
      %div3A_332 = arith.constant 0.0666666701 : f32
      %div3A_333 = vector.broadcast %div3A_332 : f32 to vector<16xf32>
      %div3A_334 = arith.divf %div3A_331, %div3A_333 : vector<16xf32>
      %convert_element_type3A_335 = arith.fptosi %div3A_334 : vector<16xf32> to vector<16xi32>
      %min3A_336 = arith.constant 14 : i32
      %min3A_337 = vector.broadcast %min3A_336 : i32 to vector<16xi32>
      %min3A_338 = arith.minsi %convert_element_type3A_335, %min3A_337 : vector<16xi32>
      %gather3A_339 = tpu.vector_load_idx %arg9[%min3A_338] : memref<16xf32, #tpu.memory_space<vmem>>[vector<16xi32>], vector<16xf32>,
      %add3A_340 = arith.constant 1 : i32
      %add3A_341 = vector.broadcast %add3A_340 : i32 to vector<16xi32>
      %add3A_342 = arith.addi %min3A_338, %add3A_341 : vector<16xi32>
      %gather3A_343 = tpu.vector_load_idx %arg9[%add3A_342] : memref<16xf32, #tpu.memory_space<vmem>>[vector<16xi32>], vector<16xf32>,
      %le3A_344 = arith.cmpf ole, %div3A_331, %gather3A_339 : vector<16xf32>
      %convert_element_type3A_345 = arith.extui %le3A_344 : vector<16xi1> to vector<16xi32>
      %sub3A_346 = arith.subi %min3A_338, %convert_element_type3A_345 : vector<16xi32>
      %gt3A_347 = arith.cmpf ogt, %div3A_331, %gather3A_343 : vector<16xf32>
      %convert_element_type3A_348 = arith.extui %gt3A_347 : vector<16xi1> to vector<16xi32>
      %add3A_349 = arith.addi %sub3A_346, %convert_element_type3A_348 : vector<16xi32>
      %add3A_350 = arith.constant 0 : i32
      %add3A_351 = vector.broadcast %add3A_350 : i32 to vector<16xi32>
      %add3A_352 = arith.addi %min3A_338, %add3A_351 : vector<16xi32>
      tpu.vector_store_idx %arg10[%add3A_352, %iota3A], %div3A_331 {add = true} : memref<98x16xf32, #tpu.memory_space<vmem>>[vector<16xi32>, vector<16xi32>], vector<16xf32>,
      %add3A_353 = arith.constant 16 : i32
      %add3A_354 = vector.broadcast %add3A_353 : i32 to vector<16xi32>
      %add3A_355 = arith.addi %min3A_338, %add3A_354 : vector<16xi32>
      tpu.vector_store_idx %arg10[%add3A_355, %iota3A], %broadcast_in_dim3A_20 {add = true} : memref<98x16xf32, #tpu.memory_space<vmem>>[vector<16xi32>, vector<16xi32>], vector<16xf32>,
      %add3A_356 = arith.constant 32 : i32
      %add3A_357 = vector.broadcast %add3A_356 : i32 to vector<16xi32>
      %add3A_358 = arith.addi %add3A_349, %add3A_357 : vector<16xi32>
      %ge3A_359 = arith.constant 0 : i32
      %ge3A_360 = vector.broadcast %ge3A_359 : i32 to vector<16xi32>
      %ge3A_361 = arith.cmpi sge, %add3A_349, %ge3A_360 : vector<16xi32>
      tpu.vector_store_idx %arg10[%add3A_358, %iota3A], %broadcast_in_dim3A_20 masked %ge3A_361 {add = true} : memref<98x16xf32, #tpu.memory_space<vmem>>[vector<16xi32>, vector<16xi32>], vector<16xf32>, vector<16xi1>
      %div3A_362 = arith.divf %exp3A_277, %add3A_302 : vector<16xf32>
      %div3A_363 = arith.constant 0.0666666701 : f32
      %div3A_364 = vector.broadcast %div3A_363 : f32 to vector<16xf32>
      %div3A_365 = arith.divf %div3A_362, %div3A_364 : vector<16xf32>
      %convert_element_type3A_366 = arith.fptosi %div3A_365 : vector<16xf32> to vector<16xi32>
      %min3A_367 = arith.constant 14 : i32
      %min3A_368 = vector.broadcast %min3A_367 : i32 to vector<16xi32>
      %min3A_369 = arith.minsi %convert_element_type3A_366, %min3A_368 : vector<16xi32>
      %gather3A_370 = tpu.vector_load_idx %arg9[%min3A_369] : memref<16xf32, #tpu.memory_space<vmem>>[vector<16xi32>], vector<16xf32>,
      %add3A_371 = arith.constant 1 : i32
      %add3A_372 = vector.broadcast %add3A_371 : i32 to vector<16xi32>
      %add3A_373 = arith.addi %min3A_369, %add3A_372 : vector<16xi32>
      %gather3A_374 = tpu.vector_load_idx %arg9[%add3A_373] : memref<16xf32, #tpu.memory_space<vmem>>[vector<16xi32>], vector<16xf32>,
      %le3A_375 = arith.cmpf ole, %div3A_362, %gather3A_370 : vector<16xf32>
      %convert_element_type3A_376 = arith.extui %le3A_375 : vector<16xi1> to vector<16xi32>
      %sub3A_377 = arith.subi %min3A_369, %convert_element_type3A_376 : vector<16xi32>
      %gt3A_378 = arith.cmpf ogt, %div3A_362, %gather3A_374 : vector<16xf32>
      %convert_element_type3A_379 = arith.extui %gt3A_378 : vector<16xi1> to vector<16xi32>
      %add3A_380 = arith.addi %sub3A_377, %convert_element_type3A_379 : vector<16xi32>
      %add3A_381 = arith.constant 48 : i32
      %add3A_382 = vector.broadcast %add3A_381 : i32 to vector<16xi32>
      %add3A_383 = arith.addi %min3A_369, %add3A_382 : vector<16xi32>
      tpu.vector_store_idx %arg10[%add3A_383, %iota3A], %div3A_362 {add = true} : memref<98x16xf32, #tpu.memory_space<vmem>>[vector<16xi32>, vector<16xi32>], vector<16xf32>,
      %add3A_384 = arith.constant 64 : i32
      %add3A_385 = vector.broadcast %add3A_384 : i32 to vector<16xi32>
      %add3A_386 = arith.addi %min3A_369, %add3A_385 : vector<16xi32>
      tpu.vector_store_idx %arg10[%add3A_386, %iota3A], %broadcast_in_dim3A_20 {add = true} : memref<98x16xf32, #tpu.memory_space<vmem>>[vector<16xi32>, vector<16xi32>], vector<16xf32>,
      %add3A_387 = arith.constant 80 : i32
      %add3A_388 = vector.broadcast %add3A_387 : i32 to vector<16xi32>
      %add3A_389 = arith.addi %add3A_380, %add3A_388 : vector<16xi32>
      %ge3A_390 = arith.constant 0 : i32
      %ge3A_391 = vector.broadcast %ge3A_390 : i32 to vector<16xi32>
      %ge3A_392 = arith.cmpi sge, %add3A_380, %ge3A_391 : vector<16xi32>
      tpu.vector_store_idx %arg10[%add3A_389, %iota3A], %broadcast_in_dim3A_20 masked %ge3A_392 {add = true} : memref<98x16xf32, #tpu.memory_space<vmem>>[vector<16xi32>, vector<16xi32>], vector<16xf32>, vector<16xi1>
    }
    %scan3A_37 = arith.constant 8 : i32
    %dma_wait3A_38 = tpu.memref_slice %arg3[%mul3A_2] : memref<16384xi32, #tpu.memory_space<hbm>> -> memref<512xi32, #tpu.memory_space<hbm>>
    %dma_wait3A_39 = tpu.memref_slice %arg3[%mul3A_2] : memref<16384xi32, #tpu.memory_space<hbm>> -> memref<512xi32, #tpu.memory_space<hbm>>
    tpu.wait_dma2 semaphore(%arg14 : memref<!tpu.dma_semaphore, #tpu.memory_space<semaphore_mem>>) src(%dma_wait3A_39 : memref<512xi32, #tpu.memory_space<hbm>>) dst(%arg8 : memref<512xi32, #tpu.memory_space<vmem>>)
    %get3A = arith.constant 0 : index
    %get3A_40 = tpu.vector_load %arg8[%get3A] {strides = array<i32>} : memref<512xi32, #tpu.memory_space<vmem>>, vector<16xi32>,
    %swap3A = arith.constant 0 : index
    %swap3A_41 = tpu.vector_load %arg11[%swap3A] {strides = array<i32>} : memref<16xi32, #tpu.memory_space<vmem>>, vector<16xi32>,
    tpu.vector_store %arg11[%swap3A], %get3A_40 {strides = array<i32>} : memref<16xi32, #tpu.memory_space<vmem>>, vector<16xi32>,
    %scan3A_42 = arith.constant 0 : i32
    %scan3A_43 = arith.constant 31 : i32
    %scan3A_44 = arith.addi %scan3A_42, %scan3A_43 : i32
    %scan3A_45 = arith.constant 1 : i32
    scf.for %scan3A_53 = %scan3A_42 to %scan3A_44 step %scan3A_45  : i32 {
      %mul3A_54 = arith.constant 1 : i32
      %mul3A_55 = arith.muli %scan3A_53, %mul3A_54 : i32
      %add3A_56 = arith.constant 1 : i32
      %add3A_57 = arith.addi %add3A_56, %mul3A_55 : i32
      %get3A_58 = arith.constant 0 : index
      %get3A_59 = tpu.vector_load %arg11[%get3A_58] {strides = array<i32>} : memref<16xi32, #tpu.memory_space<vmem>>, vector<16xi32>,
      %mul3A_60 = arith.constant 16 : i32
      %mul3A_61 = arith.muli %add3A_57, %mul3A_60 : i32
      %get3A_62 = arith.index_cast %mul3A_61 : i32 to index
      %get3A_63 = tpu.vector_load %arg8[%get3A_62] {strides = array<i32>} : memref<512xi32, #tpu.memory_space<vmem>>, vector<16xi32>,
      %max3A = arith.maxsi %get3A_59, %get3A_63 : vector<16xi32>
      %swap3A_64 = arith.constant 0 : index
      %swap3A_65 = tpu.vector_load %arg11[%swap3A_64] {strides = array<i32>} : memref<16xi32, #tpu.memory_space<vmem>>, vector<16xi32>,
      tpu.vector_store %arg11[%swap3A_64], %max3A {strides = array<i32>} : memref<16xi32, #tpu.memory_space<vmem>>, vector<16xi32>,
    }
    %scan3A_46 = arith.constant 31 : i32
    %get3A_47 = arith.constant 0 : index
    %get3A_48 = tpu.vector_load %arg11[%get3A_47] {strides = array<i32>} : memref<16xi32, #tpu.memory_space<vmem>>, vector<16xi32>,
    %convert_element_type3A = arith.sitofp %get3A_48 : vector<16xi32> to vector<16xf32>
    %swap3A_49 = arith.constant 97 : i32
    %swap3A_50 = arith.index_cast %swap3A_49 : i32 to index
    %swap3A_51 = arith.constant 0 : index
    %swap3A_52 = tpu.vector_load %arg10[%swap3A_50, %swap3A_51] {strides = array<i32>} : memref<98x16xf32, #tpu.memory_space<vmem>>, vector<16xf32>,
    tpu.vector_store %arg10[%swap3A_50, %swap3A_51], %convert_element_type3A {strides = array<i32>} : memref<98x16xf32, #tpu.memory_space<vmem>>, vector<16xf32>,
    "tpu.region"() ({
      %run_scoped3A = tpu.sem_alloc : memref<!tpu.dma_semaphore, #tpu.memory_space<semaphore_mem>>
      %dma_start3A_53 = arith.constant 0 : i32
      %dma_start3A_54 = arith.constant 0 : i32
      %dma_start3A_55 = tpu.memref_slice %arg5[%add3A, %dma_start3A_53, %dma_start3A_54] : memref<32x98x16xf32, #tpu.memory_space<hbm>> -> memref<1x98x16xf32, #tpu.memory_space<hbm>>
      %dma_start3A_56 = tpu.memref_squeeze %dma_start3A_55 : memref<1x98x16xf32, #tpu.memory_space<hbm>> -> memref<98x16xf32, #tpu.memory_space<hbm>>
      %dma_start3A_57 = arith.constant 0 : i32
      %dma_start3A_58 = arith.constant 0 : i32
      %dma_start3A_59 = tpu.memref_slice %arg5[%add3A, %dma_start3A_57, %dma_start3A_58] : memref<32x98x16xf32, #tpu.memory_space<hbm>> -> memref<1x98x16xf32, #tpu.memory_space<hbm>>
      %dma_start3A_60 = tpu.memref_squeeze %dma_start3A_59 : memref<1x98x16xf32, #tpu.memory_space<hbm>> -> memref<98x16xf32, #tpu.memory_space<hbm>>
      tpu.enqueue_dma source(%arg10 : memref<98x16xf32, #tpu.memory_space<vmem>>) target(%dma_start3A_60 : memref<98x16xf32, #tpu.memory_space<hbm>>) target_semaphore(%run_scoped3A : memref<!tpu.dma_semaphore, #tpu.memory_space<semaphore_mem>>)
      %dma_wait3A_61 = arith.constant 0 : i32
      %dma_wait3A_62 = arith.constant 0 : i32
      %dma_wait3A_63 = tpu.memref_slice %arg5[%add3A, %dma_wait3A_61, %dma_wait3A_62] : memref<32x98x16xf32, #tpu.memory_space<hbm>> -> memref<1x98x16xf32, #tpu.memory_space<hbm>>
      %dma_wait3A_64 = tpu.memref_squeeze %dma_wait3A_63 : memref<1x98x16xf32, #tpu.memory_space<hbm>> -> memref<98x16xf32, #tpu.memory_space<hbm>>
      %dma_wait3A_65 = arith.constant 0 : i32
      %dma_wait3A_66 = arith.constant 0 : i32
      %dma_wait3A_67 = tpu.memref_slice %arg5[%add3A, %dma_wait3A_65, %dma_wait3A_66] : memref<32x98x16xf32, #tpu.memory_space<hbm>> -> memref<1x98x16xf32, #tpu.memory_space<hbm>>
      %dma_wait3A_68 = tpu.memref_squeeze %dma_wait3A_67 : memref<1x98x16xf32, #tpu.memory_space<hbm>> -> memref<98x16xf32, #tpu.memory_space<hbm>>
      tpu.wait_dma2 semaphore(%run_scoped3A : memref<!tpu.dma_semaphore, #tpu.memory_space<semaphore_mem>>) src(%arg10 : memref<98x16xf32, #tpu.memory_space<vmem>>) dst(%dma_wait3A_68 : memref<98x16xf32, #tpu.memory_space<hbm>>)
      tpu.yield
    }) : () -> ()
    return
  }
}

module attributes {stable_mosaic.version = 14 : i64} {
  func.func @_fin_body(%arg0: memref<32x98x16xf32, #tpu.memory_space<vmem>>, %arg1: memref<1x1xf32, #tpu.memory_space<vmem>>) attributes {dimension_semantics = [], scalar_prefetch = 0 : i64, scratch_operands = 0 : i64, tpu.core_type = #tpu.core_type<tc>} {
    %get3A = arith.constant 0 : index
    %get3A_0 = arith.constant 0 : index
    %get3A_1 = arith.constant 0 : index
    %get3A_2 = vector.load %arg0[%get3A, %get3A_0, %get3A_1] : memref<32x98x16xf32, #tpu.memory_space<vmem>>, vector<32x98x16xf32>
    %reduce_sum3A = arith.constant dense<0.000000e+00> : vector<98xf32>
    %reduce_sum3A_3 = vector.multi_reduction <add>, %get3A_2, %reduce_sum3A [0, 2] : vector<32x98x16xf32> to vector<98xf32>
    %slice3A = vector.extract_strided_slice %get3A_2 {offsets = [0, 97, 0], sizes = [32, 1, 16], strides = [1, 1, 1]} : vector<32x98x16xf32> to vector<32x1x16xf32>
    %squeeze3A = vector.shape_cast %slice3A : vector<32x1x16xf32> to vector<32x16xf32>
    %reduce_max3A = vector.shape_cast %squeeze3A : vector<32x16xf32> to vector<1x32x16xf32>
    %reduce_max3A_4 = arith.constant dense<0xFF800000> : vector<1xf32>
    %reduce_max3A_5 = vector.multi_reduction <maximumf>, %reduce_max3A, %reduce_max3A_4 [1, 2] : vector<1x32x16xf32> to vector<1xf32>
    %reduce_max3A_6 = vector.shape_cast %reduce_max3A_5 : vector<1xf32> to vector<1x1x1xf32>
    %reduce_max3A_7 = vector.extract %reduce_max3A_6[0, 0, 0] : f32 from vector<1x1x1xf32>
    %add3A = arith.constant 1.000000e+00 : f32
    %add3A_8 = arith.addf %reduce_max3A_7, %add3A : f32
    %sub3A = arith.constant 1.000000e+00 : f32
    %sub3A_9 = arith.subf %add3A_8, %sub3A : f32
    %div3A = arith.divf %sub3A_9, %add3A_8 : f32
    %div3A_10 = arith.constant 1.000000e+00 : f32
    %div3A_11 = arith.divf %div3A_10, %add3A_8 : f32
    %slice3A_12 = vector.extract_strided_slice %reduce_sum3A_3 {offsets = [0], sizes = [16], strides = [1]} : vector<98xf32> to vector<16xf32>
    %slice3A_13 = vector.extract_strided_slice %reduce_sum3A_3 {offsets = [16], sizes = [16], strides = [1]} : vector<98xf32> to vector<16xf32>
    %slice3A_14 = vector.extract_strided_slice %reduce_sum3A_3 {offsets = [32], sizes = [16], strides = [1]} : vector<98xf32> to vector<16xf32>
    %slice3A_15 = vector.extract_strided_slice %reduce_sum3A_3 {offsets = [48], sizes = [16], strides = [1]} : vector<98xf32> to vector<16xf32>
    %slice3A_16 = vector.extract_strided_slice %reduce_sum3A_3 {offsets = [64], sizes = [16], strides = [1]} : vector<98xf32> to vector<16xf32>
    %slice3A_17 = vector.extract_strided_slice %reduce_sum3A_3 {offsets = [80], sizes = [16], strides = [1]} : vector<98xf32> to vector<16xf32>
    %gt3A = arith.constant 0.000000e+00 : f32
    %gt3A_18 = vector.broadcast %gt3A : f32 to vector<16xf32>
    %gt3A_19 = arith.cmpf ogt, %slice3A_14, %gt3A_18 : vector<16xf32>
    %mul3A = arith.mulf %div3A, %div3A : f32
    %mul3A_20 = vector.broadcast %mul3A : f32 to vector<16xf32>
    %mul3A_21 = arith.mulf %mul3A_20, %slice3A_13 : vector<16xf32>
    %mul3A_22 = arith.constant 2.000000e+00 : f32
    %mul3A_23 = arith.mulf %mul3A_22, %div3A : f32
    %mul3A_24 = vector.broadcast %mul3A_23 : f32 to vector<16xf32>
    %mul3A_25 = arith.mulf %mul3A_24, %slice3A_12 : vector<16xf32>
    %sub3A_26 = arith.subf %mul3A_21, %mul3A_25 : vector<16xf32>
    %jit3A = arith.constant 0.000000e+00 : f32
    %broadcast_in_dim3A = vector.broadcast %jit3A : f32 to vector<16xf32>
    %select_n3A = arith.select %gt3A_19, %sub3A_26, %broadcast_in_dim3A : vector<16xi1>, vector<16xf32>
    %gt3A_27 = arith.constant 0.000000e+00 : f32
    %gt3A_28 = vector.broadcast %gt3A_27 : f32 to vector<16xf32>
    %gt3A_29 = arith.cmpf ogt, %slice3A_17, %gt3A_28 : vector<16xf32>
    %mul3A_30 = arith.mulf %div3A_11, %div3A_11 : f32
    %mul3A_31 = vector.broadcast %mul3A_30 : f32 to vector<16xf32>
    %mul3A_32 = arith.mulf %mul3A_31, %slice3A_16 : vector<16xf32>
    %mul3A_33 = arith.constant 2.000000e+00 : f32
    %mul3A_34 = arith.mulf %mul3A_33, %div3A_11 : f32
    %mul3A_35 = vector.broadcast %mul3A_34 : f32 to vector<16xf32>
    %mul3A_36 = arith.mulf %mul3A_35, %slice3A_15 : vector<16xf32>
    %sub3A_37 = arith.subf %mul3A_32, %mul3A_36 : vector<16xf32>
    %jit3A_38 = arith.constant 0.000000e+00 : f32
    %broadcast_in_dim3A_39 = vector.broadcast %jit3A_38 : f32 to vector<16xf32>
    %select_n3A_40 = arith.select %gt3A_29, %sub3A_37, %broadcast_in_dim3A_39 : vector<16xi1>, vector<16xf32>
    %slice3A_41 = vector.extract_strided_slice %reduce_sum3A_3 {offsets = [96], sizes = [1], strides = [1]} : vector<98xf32> to vector<1xf32>
    %squeeze3A_42 = vector.extract %slice3A_41[0] : f32 from vector<1xf32>
    %reduce_sum3A_43 = vector.shape_cast %select_n3A : vector<16xf32> to vector<1x16xf32>
    %reduce_sum3A_44 = arith.constant dense<0.000000e+00> : vector<1xf32>
    %reduce_sum3A_45 = vector.multi_reduction <add>, %reduce_sum3A_43, %reduce_sum3A_44 [1] : vector<1x16xf32> to vector<1xf32>
    %reduce_sum3A_46 = vector.shape_cast %reduce_sum3A_45 : vector<1xf32> to vector<1x1xf32>
    %reduce_sum3A_47 = vector.extract %reduce_sum3A_46[0, 0] : f32 from vector<1x1xf32>
    %add3A_48 = arith.addf %squeeze3A_42, %reduce_sum3A_47 : f32
    %reduce_sum3A_49 = vector.shape_cast %select_n3A_40 : vector<16xf32> to vector<1x16xf32>
    %reduce_sum3A_50 = arith.constant dense<0.000000e+00> : vector<1xf32>
    %reduce_sum3A_51 = vector.multi_reduction <add>, %reduce_sum3A_49, %reduce_sum3A_50 [1] : vector<1x16xf32> to vector<1xf32>
    %reduce_sum3A_52 = vector.shape_cast %reduce_sum3A_51 : vector<1xf32> to vector<1x1xf32>
    %reduce_sum3A_53 = vector.extract %reduce_sum3A_52[0, 0] : f32 from vector<1x1xf32>
    %add3A_54 = arith.addf %add3A_48, %reduce_sum3A_53 : f32
    %div3A_55 = arith.constant 1.638400e+05 : f32
    %div3A_56 = arith.divf %add3A_54, %div3A_55 : f32
    %reshape3A = vector.broadcast %div3A_56 : f32 to vector<1x1xf32>
    %swap3A = arith.constant 0 : index
    %swap3A_57 = arith.constant 0 : index
    %swap3A_58 = vector.load %arg1[%swap3A, %swap3A_57] : memref<1x1xf32, #tpu.memory_space<vmem>>, vector<1x1xf32>
    tpu.vector_store %arg1[%swap3A, %swap3A_57], %reshape3A {strides = array<i32>} : memref<1x1xf32, #tpu.memory_space<vmem>>, vector<1x1xf32>,
    return
  }
}

</mosaic_0001>

<sc_bundles>
// kernel: kernel.4.cloned.1.call-start
scs
__scs_entry_jumppad:
0x0: {  	(pc) =	sbr.rel $0x88, $3  }
0x1: {  	(tag) =	ssettag $0x0;
	lr =	simm.s32 $0x1  }
0x2: {  	[smem:$0x3F9F] =	sst lr;
	_ =	strace $0xD0000000  }
0x3: {  	_ = 	snop  }
0x4: {  	_ = 	snop  }
0x5: {  	_ = 	snop  }
0x6: {  	_ = 	snop  }
0x7: {  	_ = 	snop  }
__scs_overlays_trampoline_lowered:
0x8: {  	[smem:$0x3FAE] =	sst s0  }
0x9: {  	[smem:$0x3FAF] =	sst s1  }
0xa: {  	[smem:$0x3FB0] =	sst s2  }
0xb: {  	[smem:$0x3FB1] =	sst s3  }
0xc: {  	[smem:$0x3FB2] =	sst s4  }
0xd: {  	[smem:$0x3FB3] =	sst s5  }
0xe: {  	[smem:$0x3FB4] =	sst s6  }
0xf: {  	[smem:$0x3FB5] =	sst s7  }
0x10: {  	[smem:$0x3FB6] =	sst s8  }
0x11: {  	[smem:$0x3FB7] =	sst s9;
	s0 =	simm.s32 @!p0 $0x0  }
0x12: {  	s1 =	sld [smem:$0x3F9D];
	s0 =	simm.s32 @p0 $0x1  }
0x13: {  	[smem:$0x3FB8] =	sst s0;
	s0 =	simm.s32 @!p1 $0x0  }
0x14: {  	s2 =	sld [smem:$0x3F9C];
	s0 =	simm.s32 @p1 $0x1  }
0x15: {  	[smem:$0x3FB9] =	sst s0;
	s0 =	simm.s32 @!p2 $0x0  }
0x16: {  	s3 =	sld [smem:$0x3FDB];
	s0 =	simm.s32 @p2 $0x1  }
0x17: {  	s4 =	simm.s32 $0x1BF5;
	[smem:$0x3FBB] =	sst s0  }
0x18: {  	s0 =	sld [smem:$0x3F9E];
	_ =	swait.ge [sflag:s4], $0x0  }
0x19: {  	s7 =	sld [smem:$0x3F9F]  }
0x1a: {  	s8 =	sadd.s32 $0xFFFFE003, lr  }
0x1b: {  	s9 =	sadd.s32 $0xFFFFFEF7, lr;
	s5 =	simm.s32 $0xFFFFFFFF;
	p2 =	slt.u32 s8, $0xFFFFF086  }
0x1c: {  	p1 =	slt.u32 s9, $0xF7A;
	s5 =	simm.s32 @!p2 $0x0  }
0x1d: {  	s5 =	simm.s32 @p1 $0x1;
	p0 =	seq.s32 s7, s2  }
0x1e: {  	s7 =	smul.u32 @!p0 $0xF7A, s2;
	p2 =	seq.s32 @!p0 s5, $0x0  }
0x1f: {  	s9 =	smul.u32 $0xF7A, s1;
	s8 =	simm.s32 @!p0 $0x1BF5;
	p2 =	por !p2, p0  }
0x20: {  	[sflag:s8] =	ssyncset.s32 @!p0 $0xFFFFF086;
	s6 =	sadd.s32 @!p0 s3, s7;
	s7 =	simm.s32 @!p0 $0x108  }
0x21: {  	s3 =	sadd.s32 s3, s9;
	s6 =	sadd.s32 @!p0 $0x88, s6;
	s7 =	simm.s32 @p2 $0x1082  }
0x22: {  	[simem:s7], [sflag:s8] =	dma.local @!p0 [hbm:s6], $0xF7A  }
0x23: {  	s9 =	sor.u32 $0xD0000000, s2;
	s6 =	simm.s32 $0x108;
	_ =	swait.ge @!p0 [sflag:s8], $0x0  }
0x24: {  	s3 =	sadd.s32 $0x88, s3;
	s6 =	simm.s32 @!p1 $0x1082;
	[sflag:s4] =	ssyncset.s32 $0xFFFFF086  }
0x25: {  	[simem:s6], [sflag:s4] =	dma.local [hbm:s3], $0xF7A  }
0x26: {  	[smem:$0x3F9F] =	sst s1;
	(tag) =	ssettag s2;
	_ =	strace s9  }
0x27: {  	s1 =	sld [smem:$0x3FAF]  }
0x28: {  	s2 =	sld [smem:$0x3FB0]  }
0x29: {  	s4 =	sld [smem:$0x3FB2]  }
0x2a: {  	p0 =	seq.s32 s5, $0x0;
	s5 =	sld [smem:$0x3FB3]  }
0x2b: {  	s6 =	sld [smem:$0x3FB4]  }
0x2c: {  	s7 =	sld [smem:$0x3FB5]  }
0x2d: {  	s3 =	simm.s32 $0x108;
	s8 =	sld [smem:$0x3FB6]  }
0x2e: {  	s3 =	simm.s32 @!p0 $0x1082;
	s9 =	sld [smem:$0x3FB7]  }
0x2f: {  	lr =	sadd.s32 s0, s3;
	s0 =	sld [smem:$0x3FAE]  }
0x30: {  	s3 =	sld [smem:$0x3FB1]  }
0x31: {  	[smem:$0x3FBA] =	sst s10  }
0x32: {  	s10 =	sld [smem:$0x3FB8];
	_ =	sdelay $0x3  }
0x33: {  	p0 =	seq.s32 s10, $0x1;
	s10 =	sld [smem:$0x3FBA];
	_ =	sdelay $0x3  }
0x34: {  	[smem:$0x3FBA] =	sst s10  }
0x35: {  	s10 =	sld [smem:$0x3FB9];
	_ =	sdelay $0x3  }
0x36: {  	p1 =	seq.s32 s10, $0x1;
	s10 =	sld [smem:$0x3FBA];
	_ =	sdelay $0x3  }
0x37: {  	[smem:$0x3FBA] =	sst s10  }
0x38: {  	s10 =	sld [smem:$0x3FBB]  }
0x39: {  	_ = 	snop;
	(pc) =	sbr.ind lr, $3  }
0x3a: {  	_ = 	snop  }
0x3b: {  	_ = 	snop  }
0x3c: {  	p2 =	seq.s32 s10, $0x1;
	s10 =	sld [smem:$0x3FBA]  }
0x3d: {  	_ =	shalt  }
0x3e: {  	_ =	shalt  }
0x3f: {  	_ =	shalt  }
0x40: {  	_ =	shalt  }
0x41: {  	_ =	shalt  }
0x42: {  	_ =	shalt  }
0x43: {  	_ =	shalt  }
0x44: {  	_ =	shalt  }
0x45: {  	_ =	shalt  }
0x46: {  	_ =	shalt  }
0x47: {  	_ =	shalt  }
0x48: {  	_ =	shalt  }
0x49: {  	_ =	shalt  }
0x4a: {  	_ =	shalt  }
0x4b: {  	_ =	shalt  }
0x4c: {  	_ =	shalt  }
0x4d: {  	_ =	shalt  }
0x4e: {  	_ =	shalt  }
0x4f: {  	_ =	shalt  }
0x50: {  	_ =	shalt  }
0x51: {  	_ =	shalt  }
0x52: {  	_ =	shalt  }
0x53: {  	_ =	shalt  }
0x54: {  	_ =	shalt  }
0x55: {  	_ =	shalt  }
0x56: {  	_ =	shalt  }
0x57: {  	_ =	shalt  }
0x58: {  	_ =	shalt  }
0x59: {  	_ =	shalt  }
0x5a: {  	_ =	shalt  }
0x5b: {  	_ =	shalt  }
0x5c: {  	_ =	shalt  }
0x5d: {  	_ =	shalt  }
0x5e: {  	_ =	shalt  }
0x5f: {  	_ =	shalt  }
0x60: {  	_ =	shalt  }
0x61: {  	_ =	shalt  }
0x62: {  	_ =	shalt  }
0x63: {  	_ =	shalt  }
0x64: {  	_ =	shalt  }
0x65: {  	_ =	shalt  }
0x66: {  	_ =	shalt  }
0x67: {  	_ =	shalt  }
0x68: {  	_ =	shalt  }
0x69: {  	_ =	shalt  }
0x6a: {  	_ =	shalt  }
0x6b: {  	_ =	shalt  }
0x6c: {  	_ =	shalt  }
0x6d: {  	_ =	shalt  }
0x6e: {  	_ =	shalt  }
0x6f: {  	_ =	shalt  }
0x70: {  	_ =	shalt  }
0x71: {  	_ =	shalt  }
0x72: {  	_ =	shalt  }
0x73: {  	_ =	shalt  }
0x74: {  	_ =	shalt  }
0x75: {  	_ =	shalt  }
0x76: {  	_ =	shalt  }
0x77: {  	_ =	shalt  }
0x78: {  	_ =	shalt  }
0x79: {  	_ =	shalt  }
0x7a: {  	_ =	shalt  }
0x7b: {  	_ =	shalt  }
0x7c: {  	_ =	shalt  }
0x7d: {  	_ =	shalt  }
0x7e: {  	_ =	shalt  }
0x7f: {  	_ =	shalt  }
0x80: {  	_ =	shalt  }
0x81: {  	_ =	shalt  }
0x82: {  	_ =	shalt  }
0x83: {  	_ =	shalt  }
0x84: {  	_ =	shalt  }
0x85: {  	_ =	shalt  }
0x86: {  	_ =	shalt  }
0x87: {  	_ =	shalt  }
.Lfunc_end0:
.L_simem_size_0:
called_computation_lowered:
.L_overlay_start_0:
0x88: {  	s2 =	sld [smem:$0x3FD9]  }
0x89: {  	s3 =	sld [smem:$0x3FFE];
	_ =	sdelay $0x1  }
0x8a: {  	s1 =	srdreg.scid  }
0x8b: {  	s0 =	sand.u32 $0x1, s1  }
0x8c: {  	s17 =	sshll.u32 s0, $0xA;
	s2 =	sadd.s32 s3, s2  }
0x8d: {  	s2 =	sadd.s32 s2, s17  }
0x8e: {  	[smem:$0x3FC6] =	sst s2  }
0x8f: {  	_ = 	snop  }
0x90: {  	s2 =	sld [smem:$0x3FC9]  }
0x91: {  	s18 =	sld [smem:$0x3FC8]  }
0x92: {  	s4 =	sld [smem:$0x3FD0];
	(tm) =	ssettm $0x1  }
0x93: {  	s5 =	sld [smem:$0x3FFB];
	_ =	sdelay $0x3  }
0x94: {  	_ =	strace s5  }
0x95: {  	s5 =	sld [smem:$0x3FFC];
	_ =	sdelay $0x3  }
0x96: {  	_ =	strace s5  }
0x97: {  	s5 =	sld [smem:$0x3FFD];
	_ =	sdelay $0x3  }
0x98: {  	_ =	strace s5  }
0x99: {  	_ =	strace $0x8FFFFFFF  }
0x9a: {  	s19 =	sld [smem:$0x3FDB];
	_ =	sdelay $0x1  }
0x9b: {  	s6 =	simm.s32 $_scs_section_size  }
0x9c: {  	s7 =	simm.s32 $_size__tile_overlayer_lowered;
	s8 =	simm.s32 $_tile_overlayer_lowered  }
0x9d: {  	s22 =	simm.s32 $0x1BFF;
	s21 =	sshll.u32 s8, $0x1;
	s5 =	sadd.s32 s6, s19  }
0x9e: {  	s9 =	simm.s32 $0x0;
	s20 =	sshll.u32 s7, $0x1;
	s7 =	sadd.s32 s21, s5  }
0x9f: {  	[timem:s9], [sflag:s22] =	dma.local [hbm:s7], s20  }
0xa0: {  	_ =	swait.ge [sflag:s22], s20  }
0xa1: {  	s6 =	ssub.s32 $0x0, s20;
	[sflag:s22] =	ssyncset.done $0x0  }
0xa2: {  	[sflag:s22] =	ssyncadd.s32 s6;
	_ =	sdelay $0x1  }
0xa3: {  	s23 =	simm.s32 $0x1B8B  }
0xa4: {  	_ =	swait.ge [sflag:s23], $0x1  }
0xa5: {  	[sflag:s23] =	ssyncset.done $0x0  }
0xa6: {  	s25 =	simm.s32 $0x1B8E;
	s24 =	sld [smem:$0x3FFE];
	[sflag:s23] =	ssyncadd.s32 $0xFFFFFFFF  }
0xa7: {  	s26 =	simm.s32 $execute0_lowered;
	[smem:$0x3FD2] =	sst s25  }
0xa8: {  	s7 =	sshll.u32 s26, $0x1;
	_ =	strace $0x80000046;
	[dreg:$0x1] =	wrdreg $0xFFFFFFFF  }
0xa9: {  	s28 =	simm.s32 $_size_execute0_lowered;
	s5 =	sadd.s32 s5, s7;
	[dreg:$0x0] =	wrdreg $0x0  }
0xaa: {  	s7 =	sshll.u32 s28, $0x1;
	[dreg:$0x2] =	wrdreg s5  }
0xab: {  	[dreg:$0x3] =	wrdreg s7  }
0xac: {  	[dreg:$0x4] =	wrdreg $0xC0  }
0xad: {  	_ =	task [dreg:s9], $0x5FFFF  }
0xae: {  	[dreg:$0x1] =	wrdreg $0xFFFFFFFF  }
0xaf: {  	[dreg:$0x0] =	wrdreg $0x60  }
0xb0: {  	[dreg:$0x2] =	wrdreg s2  }
0xb1: {  	[dreg:$0x3] =	wrdreg s18  }
0xb2: {  	[dreg:$0x4] =	wrdreg s4  }
0xb3: {  	[dreg:$0x5] =	wrdreg s24  }
0xb4: {  	[dreg:$0x6] =	wrdreg $0x9  }
0xb5: {  	_ =	task.clear_ibuf [dreg:s9], $0x7FFFF;
	_ =	strace $0x90000046  }
0xb6: {  	s29 =	simm.s32 $0x9;
	_ =	strace $0x80000048  }
0xb7: {  	_ =	swait.ge [sflag:s29], $0x1  }
0xb8: {  	[sflag:s29] =	ssyncadd.s32 $0xFFFFFFFF  }
0xb9: {  	_ =	strace $0x90000048  }
0xba: {  	_ =	sfence  }
0xbb: {  	s30 =	sld [smem:$0x0];
	_ =	sdelay $0x2  }
0xbc: {  	s31 =	sshll.u32 s1, $0xD;
	s1 =	sshrl.u32 s1, $0x2  }
0xbd: {  	s3 =	sand.u32 $0x4000, s31;
	s1 =	sadd.s32 s1, s30  }
0xbe: {  	s0 =	sor.u32 s3, s0;
	s1 =	sshll.u32 s1, $0x11  }
0xbf: {  	s0 =	sor.u32 s1, s0  }
0xc0: {  	s0 =	sadd.s32 $0x8F2B, s0  }
0xc1: {  	[sflag:s0] =	ssyncadd.remote.s32 $0x1  }
0xc2: {  	_ =	sfence.sel $0xFFFF  }
0xc3: {  	[dreg:$0x0] =	wrdreg $0xFFFFFFFF;
	(pc) =	sbr.abs _section_cstart, $3  }
0xc4: {  	[dreg:$0x1] =	wrdreg $0xFFFFFFFF  }
0xc5: {  	_ =	task.clear_ibuf [dreg:s9], $0x2FFFF;
	_ =	strace $0x9FFFFFFF  }
0xc6: {  	(tm) =	ssettm $0x7FFFFFFF  }
0xc7: {  	_ =	shalt  }
tec
execute0_lowered:
.L_overlay_start_1:
0x0: {  	(tag) =	ssettag $0x1  }
0x1: {  	s4 =	rddreg [dreg:$0x0]  }
0x2: {  	s6 =	rddreg [dreg:$0x1]  }
0x3: {  	s1 =	rddreg [dreg:$0x2]  }
0x4: {  	s5 =	rddreg [dreg:$0x3];
	s2 =	simm.s32 $0x0  }
0x5: {  	[smem:$0x7FF] =	sst s2  }
0x6: {  	s0 =	rddreg [dreg:$0x4];
	v0 =	vimm.f32 $6.666667010e-02;
	_ =	strace $0x80000047  }
0x7: {  	s3 =	srdreg.scid;
	s11 =	simm.s32 $0x1000;
	(erf) = vrcp.f32 v0  }
0x8: {  	s12 =	simm.s32 $0x2000;
	s13 =	simm.s32 $0x2200;
	s14 =	simm.s32 $0x4  }
0x9: {  	s15 =	simm.s32 $0x1;
	s16 =	simm.s32 $0x5280;
	s17 =	simm.s32 $0x2280  }
0xa: {  	s18 =	simm.s32 $0x2;
	s19 =	simm.s32 $0x3;
	s7 =	sand.u32 $0x1, s3  }
0xb: {  	s3 =	stileid.u32;
	s8 =	sshll.u32 s7, $0x4;
	s7 =	ssub.s32 $0x2, s7  }
0xc: {  	s20 =	simm.s32 $0x0;
	s8 =	sor.u32 s3, s8;
	s29 =	sshrl.u32 s7, $0x1  }
0xd: {  	s9 =	smul.u32 $0x680, s8;
	s10 =	sshll.u32 s8, $0x9;
	s31 =	sshll.u32 s8, $0x6  }
0xe: {  	v1 =	vimm.s32 $0x0;
	v2 =	vlaneseq.u32;
	v4 =	vimm.f32 $1.000000000e+00;
	s30 =	ssub.s32 s7, s29;
	s4 =	sadd.s32 s4, s10;
	s6 =	sadd.s32 s6, s31  }
0xf: {  	v3 =	vor.u32 $0x800, v2;
	v5 =	vor.u32 $0x1000, v2;
	v7 =	vor.u32 $0x1800, v2;
	s8 =	smax.u32 s30, $0x1;
	s10 =	simm.s32 $0x20000;
	s9 =	sadd.s32 s9, s5  }
0x10: {  	v8 =	vor.u32 $0x2000, v2;
	v9 =	vor.u32 $0x2800, v2;
	v0 =	vimm.f32 $0.0e+00;
	s5 =	sadd.s32 $0x100, s4;
	s7 =	sadd.s32 $0x600, s9;
	s9 =	simm.s32 $0x800;
	v6 =	vpop (erf)  }
.LBB2_1:
0x11: {  	[tilespmem:s2], [sflag:$0x1] =	stream.strided.gather [hbm4b:s4+s9], $0x1000, s10, s9, $0x38;
	[tilespmem:$0x5700] =	vst v63  }
0x12: {  	_ = 	snop  }
0x13: {  	[tilespmem:s11], [sflag:$0x2] =	stream.strided.gather [hbm4b:s5+s9], $0x1000, s10, s9, $0x38;
	[tilespmem:$0x5700] =	vst v63  }
0x14: {  	_ = 	snop  }
0x15: {  	[tilespmem:s12], [sflag:$0x3] =	stream.linear.gather [hbm4b:s6+s2], $0x200, $0x38;
	[tilespmem:$0x5700] =	vst v63  }
0x16: {  	_ = 	snop  }
0x17: {  	[tilespmem:s13], [sflag:$0x4] =	stream.linear.gather [hbm4b:s1+s2], $0x80, $0x38;
	[tilespmem:$0x5700] =	vst v63  }
0x18: {  	_ =	swait.ge [sflag:s14], $0x80  }
0x19: {  	[sflag:s14] =	ssyncset.done $0x0  }
0x1a: {  	s21 =	simm.s32 $0x200;
	s22 =	simm.s32 $0x0;
	[sflag:s14] =	ssyncadd.s32 $0xFFFFFF80  }
.LBB2_2:
0x1b: {  	p0 =	sne.s32 s21, $0xC200;
	[tilespmem:s22+$0x2280] =	vst v0;
	s22 =	smov.u32 s21;
	s21 =	sadd.s32 $0x200, s21  }
.Ltmp0:
0x1c: {  	(pc) =	sbr.rel @p0 .LBB2_2-.Ltmp0, $2  }
0x1d: {  	_ =	sdelay $0x2  }
0x1e: {  	s22 =	sshra.s32 s22, $0x2  }
0x1f: {  	[tilespmem:s22+$0x2280] =	vst v0  }
0x20: {  	_ =	swait.ge [sflag:s15], $0x1000  }
0x21: {  	s21 =	simm.s32 $0x0;
	[sflag:s15] =	ssyncset.done $0x0  }
0x22: {  	s22 =	simm.s32 $0x0;
	s23 =	simm.s32 $0x0;
	[sflag:s15] =	ssyncadd.s32 $0xFFFFF000  }
.LBB2_4:
0x23: {  	s25 =	sand.u32 $0x60, s23;
	s24 =	sand.u32 $0x400, s22  }
0x24: {  	s28 =	sor.u32 s25, s24  }
0x25: {  	v10 =	vld [tilespmem:s28+$0x0]  }
0x26: {  	v11 =	vld [tilespmem:s28+$0x80]  }
0x27: {  	v12 =	vld [tilespmem:s28+$0x100]  }
0x28: {  	s26 =	sand.u32 $0x3, s21;
	v13 =	vld [tilespmem:s28+$0x180]  }
0x29: {  	s29 =	sor.u32 s22, s23;
	s26 =	sshll.u32 s26, $0x5;
	v14 =	vld [tilespmem:s28+$0x200]  }
0x2a: {  	s29 =	sor.u32 $0x380, s29;
	s26 =	sadd.s32 s26, s22;
	v15 =	vld [tilespmem:s28+$0x280]  }
0x2b: {  	v17 =	vld [tilespmem:s29+$0x0];
	s29 =	sor.u32 $0x880, s24;
	s30 =	sor.u32 $0x300, s26  }
0x2c: {  	s28 =	sor.u32 $0x800, s24;
	s31 =	sor.u32 s25, s29;
	v16 =	vld [tilespmem:s30+$0x0]  }
0x2d: {  	s30 =	sor.u32 s25, s28;
	v19 =	vld [tilespmem:s31+$0x0]  }
0x2e: {  	v18 =	vld [tilespmem:s30+$0x0];
	_ =	sdelay $0x1  }
0x2f: {  	v20 =	vmax.f32 v10, v11  }
0x30: {  	v21 =	vmax.f32 v12, v13;
	v22 =	vmax.f32 v14, v15;
	v23 =	vmax.f32 v16, v17  }
0x31: {  	v20 =	vmax.f32 v20, v21;
	v28 =	vmax.f32 v22, v23  }
0x32: {  	v29 =	vmax.f32 v18, v19;
	v20 =	vmax.f32 v20, v28  }
0x33: {  	v20 =	vmax.f32 v20, v29  }
0x34: {  	v10 =	vsub.f32 v10, v20  }
0x35: {  	v11 =	vsub.f32 v11, v20  }
0x36: {  	v12 =	vsub.f32 v12, v20;
	v10 =	vmul.f32 $1.442695020e+00, v10  }
0x37: {  	v13 =	vsub.f32 v13, v20;
	v11 =	vmul.f32 $1.442695020e+00, v11  }
0x38: {  	v30 =	vsub.f32 v14, v20;
	(erf) = vpow2.f32 v10;
	v10 =	vmul.f32 $1.442695020e+00, v12  }
0x39: {  	v31 =	vsub.f32 v15, v20;
	(erf) = vpow2.f32 v11;
	v11 =	vmul.f32 $1.442695020e+00, v13  }
0x3a: {  	v32 =	vsub.f32 v16, v20;
	(erf) = vpow2.f32 v10;
	v10 =	vmul.f32 $1.442695020e+00, v30  }
0x3b: {  	v33 =	vsub.f32 v17, v20;
	(erf) = vpow2.f32 v11;
	v11 =	vmul.f32 $1.442695020e+00, v31  }
0x3c: {  	(erf) = vpow2.f32 v10;
	v10 =	vmul.f32 $1.442695020e+00, v32  }
0x3d: {  	(erf) = vpow2.f32 v11;
	v11 =	vmul.f32 $1.442695020e+00, v33  }
0x3e: {  	(erf) = vpow2.f32 v10;
	v10 =	vsub.f32 v18, v20  }
0x3f: {  	(erf) = vpow2.f32 v11;
	v11 =	vsub.f32 v19, v20  }
0x40: {  	v10 =	vmul.f32 $1.442695020e+00, v10  }
0x41: {  	v11 =	vmul.f32 $1.442695020e+00, v11  }
0x42: {  	v34 =	vpop (erf)  }
0x43: {  	v35 =	vpop (erf);
	(erf) = vpow2.f32 v10  }
0x44: {  	v10 =	vpop (erf);
	(erf) = vpow2.f32 v11  }
0x45: {  	v11 =	vpop (erf)  }
0x46: {  	v36 =	vpop (erf)  }
0x47: {  	v37 =	vpop (erf)  }
0x48: {  	v38 =	vpop (erf)  }
0x49: {  	v40 =	vadd.f32 v35, v34;
	v41 =	vadd.f32 v11, v10;
	v39 =	vpop (erf)  }
0x4a: {  	v42 =	vadd.f32 v37, v36;
	v43 =	vadd.f32 v39, v38;
	_ =	sdelay $0x1  }
0x4b: {  	v18 =	vadd.f32 v41, v40;
	v44 =	vpop (erf);
	v45 =	vadd.f32 v43, v42  }
0x4c: {  	v46 =	vpop (erf)  }
0x4d: {  	v47 =	vadd.f32 v46, v44;
	v18 =	vadd.f32 v45, v18;
	_ =	sdelay $0x1  }
0x4e: {  	v18 =	vadd.f32 v18, v47;
	_ =	sdelay $0x1  }
0x4f: {  	(erf) = vrcp.f32 v18;
	_ =	sdelay $0x4  }
0x50: {  	v48 =	vmul.f32 v34, v34;
	v11 =	vmul.f32 v11, v11  }
0x51: {  	v49 =	vmul.f32 v35, v35;
	v10 =	vmul.f32 v10, v10  }
0x52: {  	v14 =	vmul.f32 v36, v36;
	v15 =	vmul.f32 v37, v37  }
0x53: {  	v16 =	vmul.f32 v38, v38;
	v17 =	vmul.f32 v39, v39  }
0x54: {  	v10 =	vadd.f32 v11, v10;
	v14 =	vadd.f32 v15, v14;
	v11 =	vpop (erf)  }
0x55: {  	v50 =	vadd.f32 v17, v16;
	v18 =	vadd.f32 v49, v48;
	v12 =	vmul.f32 v11, v34  }
0x56: {  	v51 =	vmul.f32 v44, v44;
	v52 =	vmul.f32 v46, v46  }
0x57: {  	v14 =	vadd.f32 v50, v14;
	v10 =	vadd.f32 v10, v18;
	v53 =	vmul.f32 v12, v6;
	_ =	sdelay $0x1  }
0x58: {  	v16 =	vadd.f32 v52, v51;
	v10 =	vadd.f32 v14, v10;
	v54 =	vtrunc.f32 v53  }
0x59: {  	v14 =	vcvt.f32.s32 v54  }
0x5a: {  	v10 =	vadd.f32 v10, v16  }
0x5b: {  	vm0 =	vlt.s32 v14, $0xE  }
0x5c: {  	v10 =	vmul.f32 v11, v10;
	v14 =	vnsel vm0, $0xE, v14  }
0x5d: {  	v55 =	vadd.s32 $0x1, v14  }
0x5e: {  	v10 =	vmul.f32 v10, v11;
	_ =	sdelay $0x1  }
0x5f: {  	[tilespmem:s16+$0x0] =	vst.add.f32.msk $0xffff, v10  }
0x60: {  	v10 =	vld.idx.msk [tilespmem:v14+s13+$0x0], $0xffff  }
0x61: {  	v15 =	vld.idx.msk [tilespmem:v55+s13+$0x0], $0xffff;
	_ =	sdelay $0x2  }
0x62: {  	v11 =	vmul.f32 v11, v35;
	_ =	sdelay $0x1  }
0x63: {  	vm14 =	vle.f32 v12, v10;
	v10 =	vmul.f32 v11, v6;
	vm1 =	vgt.f32 v12, v15  }
0x64: {  	v56 =	vsel vm14, $0xFFFFFFFF, v1;
	v15 =	vsel vm1, $0x1, v1  }
0x65: {  	v57 =	vshll.u32 v14, $0x7;
	v10 =	vtrunc.f32 v10;
	v13 =	vadd.s32 v56, v15  }
0x66: {  	v58 =	vor.u32 v2, v57;
	v10 =	vcvt.f32.s32 v10;
	v13 =	vadd.s32 v14, v13  }
0x67: {  	v15 =	vadd.s32 v3, v57;
	vm15 =	vgt.s32 v13, $0xFFFFFFFF;
	v13 =	vshll.u32 v13, $0x7  }
0x68: {  	vm4 =	vlt.s32 v10, $0xE;
	v13 =	vadd.s32 v5, v13  }
0x69: {  	v10 =	vnsel vm4, $0xE, v10  }
0x6a: {  	v59 =	vadd.s32 $0x1, v10  }
0x6b: {  	[tilespmem:v58+s17+$0x0] =	vst.idx.add.f32.msk $0xffff, v12  }
0x6c: {  	[tilespmem:v15+s17+$0x0] =	vst.idx.add.f32.msk $0xffff, v4  }
0x6d: {  	[tilespmem:v13+s17+$0x0] =	vst.idx.add.f32.msk vm15, v4  }
0x6e: {  	v12 =	vld.idx.msk [tilespmem:v10+s13+$0x0], $0xffff  }
0x6f: {  	v13 =	vld.idx.msk [tilespmem:v59+s13+$0x0], $0xffff;
	_ =	sdelay $0x4  }
0x70: {  	vm5 =	vle.f32 v11, v12;
	vm6 =	vgt.f32 v11, v13  }
0x71: {  	v12 =	vsel vm5, $0xFFFFFFFF, v1;
	v13 =	vsel vm6, $0x1, v1  }
0x72: {  	v60 =	vshll.u32 v10, $0x7;
	v12 =	vadd.s32 v12, v13  }
0x73: {  	v61 =	vadd.s32 v7, v60;
	v10 =	vadd.s32 v10, v12  }
0x74: {  	v13 =	vadd.s32 v8, v60;
	vm7 =	vgt.s32 v10, $0xFFFFFFFF;
	v10 =	vshll.u32 v10, $0x7  }
0x75: {  	v10 =	vadd.s32 v9, v10;
	_ =	sdelay $0x2  }
0x76: {  	[tilespmem:v61+s17+$0x0] =	vst.idx.add.f32.msk $0xffff, v11  }
0x77: {  	s25 =	sor.u32 $0x10, s25;
	[tilespmem:v13+s17+$0x0] =	vst.idx.add.f32.msk $0xffff, v4  }
0x78: {  	s24 =	sor.u32 s25, s24;
	[tilespmem:v10+s17+$0x0] =	vst.idx.add.f32.msk vm7, v4  }
0x79: {  	v10 =	vld [tilespmem:s24+$0x0]  }
0x7a: {  	v11 =	vld [tilespmem:s24+$0x80]  }
0x7b: {  	v12 =	vld [tilespmem:s24+$0x100]  }
0x7c: {  	v13 =	vld [tilespmem:s24+$0x180]  }
0x7d: {  	s26 =	sadd.s32 $0x10, s26;
	v14 =	vld [tilespmem:s24+$0x200]  }
0x7e: {  	s31 =	sor.u32 $0x300, s26;
	v15 =	vld [tilespmem:s24+$0x280]  }
0x7f: {  	s26 =	sor.u32 $0x380, s26;
	v62 =	vld [tilespmem:s31+$0x0]  }
0x80: {  	s30 =	sor.u32 s25, s28;
	v63 =	vld [tilespmem:s26+$0x0]  }
0x81: {  	v24 =	vld [tilespmem:s30+$0x0];
	s31 =	sor.u32 s25, s29  }
0x82: {  	v25 =	vld [tilespmem:s31+$0x0];
	_ =	sdelay $0x1  }
0x83: {  	v26 =	vmax.f32 v10, v11  }
0x84: {  	v27 =	vmax.f32 v12, v13;
	v28 =	vmax.f32 v14, v15;
	v29 =	vmax.f32 v62, v63  }
0x85: {  	v20 =	vmax.f32 v26, v27;
	v30 =	vmax.f32 v28, v29  }
0x86: {  	v31 =	vmax.f32 v24, v25;
	v20 =	vmax.f32 v20, v30  }
0x87: {  	v20 =	vmax.f32 v20, v31  }
0x88: {  	v10 =	vsub.f32 v10, v20  }
0x89: {  	v11 =	vsub.f32 v11, v20  }
0x8a: {  	v12 =	vsub.f32 v12, v20;
	v10 =	vmul.f32 $1.442695020e+00, v10  }
0x8b: {  	v13 =	vsub.f32 v13, v20;
	v11 =	vmul.f32 $1.442695020e+00, v11  }
0x8c: {  	v32 =	vsub.f32 v14, v20;
	(erf) = vpow2.f32 v10;
	v10 =	vmul.f32 $1.442695020e+00, v12  }
0x8d: {  	v33 =	vsub.f32 v15, v20;
	(erf) = vpow2.f32 v11;
	v11 =	vmul.f32 $1.442695020e+00, v13  }
0x8e: {  	v34 =	vsub.f32 v62, v20;
	(erf) = vpow2.f32 v10;
	v10 =	vmul.f32 $1.442695020e+00, v32  }
0x8f: {  	v35 =	vsub.f32 v63, v20;
	(erf) = vpow2.f32 v11;
	v11 =	vmul.f32 $1.442695020e+00, v33  }
0x90: {  	(erf) = vpow2.f32 v10;
	v10 =	vmul.f32 $1.442695020e+00, v34  }
0x91: {  	(erf) = vpow2.f32 v11;
	v11 =	vmul.f32 $1.442695020e+00, v35  }
0x92: {  	(erf) = vpow2.f32 v10;
	v10 =	vsub.f32 v24, v20  }
0x93: {  	(erf) = vpow2.f32 v11;
	v11 =	vsub.f32 v25, v20  }
0x94: {  	v10 =	vmul.f32 $1.442695020e+00, v10  }
0x95: {  	v11 =	vmul.f32 $1.442695020e+00, v11  }
0x96: {  	v36 =	vpop (erf)  }
0x97: {  	v37 =	vpop (erf);
	(erf) = vpow2.f32 v10  }
0x98: {  	(erf) = vpow2.f32 v11;
	v10 =	vpop (erf)  }
0x99: {  	v11 =	vpop (erf)  }
0x9a: {  	v38 =	vpop (erf)  }
0x9b: {  	v39 =	vpop (erf)  }
0x9c: {  	v40 =	vpop (erf)  }
0x9d: {  	v42 =	vadd.f32 v37, v36;
	v43 =	vadd.f32 v11, v10;
	v41 =	vpop (erf)  }
0x9e: {  	v44 =	vadd.f32 v39, v38;
	v45 =	vadd.f32 v41, v40;
	_ =	sdelay $0x1  }
0x9f: {  	v18 =	vadd.f32 v43, v42;
	v46 =	vpop (erf);
	v47 =	vadd.f32 v45, v44  }
0xa0: {  	v48 =	vpop (erf)  }
0xa1: {  	v49 =	vadd.f32 v48, v46;
	v18 =	vadd.f32 v47, v18;
	_ =	sdelay $0x1  }
0xa2: {  	v18 =	vadd.f32 v18, v49;
	_ =	sdelay $0x1  }
0xa3: {  	(erf) = vrcp.f32 v18;
	_ =	sdelay $0x4  }
0xa4: {  	v50 =	vmul.f32 v36, v36;
	v11 =	vmul.f32 v11, v11  }
0xa5: {  	v51 =	vmul.f32 v37, v37;
	v10 =	vmul.f32 v10, v10  }
0xa6: {  	v14 =	vmul.f32 v38, v38;
	v15 =	vmul.f32 v39, v39  }
0xa7: {  	v16 =	vmul.f32 v40, v40;
	v17 =	vmul.f32 v41, v41  }
0xa8: {  	v10 =	vadd.f32 v11, v10;
	v14 =	vadd.f32 v15, v14;
	v11 =	vpop (erf)  }
0xa9: {  	v52 =	vadd.f32 v17, v16;
	v18 =	vadd.f32 v51, v50;
	v12 =	vmul.f32 v11, v36  }
0xaa: {  	v53 =	vmul.f32 v46, v46;
	v54 =	vmul.f32 v48, v48  }
0xab: {  	v14 =	vadd.f32 v52, v14;
	v10 =	vadd.f32 v10, v18;
	v55 =	vmul.f32 v12, v6;
	_ =	sdelay $0x1  }
0xac: {  	v16 =	vadd.f32 v54, v53;
	v10 =	vadd.f32 v14, v10;
	v56 =	vtrunc.f32 v55  }
0xad: {  	v14 =	vcvt.f32.s32 v56  }
0xae: {  	v10 =	vadd.f32 v10, v16  }
0xaf: {  	vm8 =	vlt.s32 v14, $0xE  }
0xb0: {  	v10 =	vmul.f32 v11, v10;
	v14 =	vnsel vm8, $0xE, v14  }
0xb1: {  	v57 =	vadd.s32 $0x1, v14  }
0xb2: {  	v10 =	vmul.f32 v10, v11;
	_ =	sdelay $0x1  }
0xb3: {  	[tilespmem:s16+$0x0] =	vst.add.f32.msk $0xffff, v10  }
0xb4: {  	v10 =	vld.idx.msk [tilespmem:v14+s13+$0x0], $0xffff  }
0xb5: {  	v15 =	vld.idx.msk [tilespmem:v57+s13+$0x0], $0xffff;
	_ =	sdelay $0x2  }
0xb6: {  	v11 =	vmul.f32 v11, v37;
	_ =	sdelay $0x1  }
0xb7: {  	vm9 =	vle.f32 v12, v10;
	v10 =	vmul.f32 v11, v6;
	vm10 =	vgt.f32 v12, v15  }
0xb8: {  	v58 =	vsel vm9, $0xFFFFFFFF, v1;
	v15 =	vsel vm10, $0x1, v1  }
0xb9: {  	v59 =	vshll.u32 v14, $0x7;
	v10 =	vtrunc.f32 v10;
	v13 =	vadd.s32 v58, v15  }
0xba: {  	v60 =	vor.u32 v2, v59;
	v10 =	vcvt.f32.s32 v10;
	v13 =	vadd.s32 v14, v13  }
0xbb: {  	v15 =	vadd.s32 v3, v59;
	vm11 =	vgt.s32 v13, $0xFFFFFFFF;
	v13 =	vshll.u32 v13, $0x7  }
0xbc: {  	vm12 =	vlt.s32 v10, $0xE;
	v13 =	vadd.s32 v5, v13  }
0xbd: {  	v10 =	vnsel vm12, $0xE, v10  }
0xbe: {  	v61 =	vadd.s32 $0x1, v10  }
0xbf: {  	[tilespmem:v60+s17+$0x0] =	vst.idx.add.f32.msk $0xffff, v12  }
0xc0: {  	[tilespmem:v15+s17+$0x0] =	vst.idx.add.f32.msk $0xffff, v4  }
0xc1: {  	[tilespmem:v13+s17+$0x0] =	vst.idx.add.f32.msk vm11, v4  }
0xc2: {  	v12 =	vld.idx.msk [tilespmem:v10+s13+$0x0], $0xffff  }
0xc3: {  	v13 =	vld.idx.msk [tilespmem:v61+s13+$0x0], $0xffff;
	_ =	sdelay $0x4  }
0xc4: {  	vm13 =	vle.f32 v11, v12;
	vm14 =	vgt.f32 v11, v13  }
0xc5: {  	v12 =	vsel vm13, $0xFFFFFFFF, v1;
	v13 =	vsel vm14, $0x1, v1  }
0xc6: {  	v62 =	vshll.u32 v10, $0x7;
	v12 =	vadd.s32 v12, v13  }
0xc7: {  	v63 =	vadd.s32 v7, v62;
	v10 =	vadd.s32 v10, v12  }
0xc8: {  	v13 =	vadd.s32 v8, v62;
	vm15 =	vgt.s32 v10, $0xFFFFFFFF;
	v10 =	vshll.u32 v10, $0x7  }
0xc9: {  	p0 =	sne.s32 s23, $0xE0;
	v10 =	vadd.s32 v9, v10  }
.Ltmp1:
0xca: {  	_ = 	snop;
	(pc) =	sbr.rel @p0 .LBB2_4-.Ltmp1, $4  }
0xcb: {  	_ = 	snop  }
0xcc: {  	[tilespmem:v63+s17+$0x0] =	vst.idx.add.f32.msk $0xffff, v11  }
0xcd: {  	[tilespmem:v13+s17+$0x0] =	vst.idx.add.f32.msk $0xffff, v4  }
0xce: {  	s21 =	sadd.s32 $0x1, s21;
	s23 =	sadd.s32 $0x20, s23;
	s22 =	sadd.s32 $0x100, s22;
	[tilespmem:v10+s17+$0x0] =	vst.idx.add.f32.msk vm15, v4  }
0xcf: {  	_ =	swait.ge [sflag:s18], $0x1000  }
0xd0: {  	s21 =	simm.s32 $0x0;
	[sflag:s18] =	ssyncset.done $0x0  }
0xd1: {  	s22 =	simm.s32 $0x0;
	s23 =	simm.s32 $0x0;
	[sflag:s18] =	ssyncadd.s32 $0xFFFFF000  }
.LBB2_6:
0xd2: {  	s29 =	sand.u32 $0x400, s22;
	s30 =	sor.u32 s22, s23  }
0xd3: {  	s25 =	sand.u32 $0x60, s23;
	s24 =	sor.u32 $0x1000, s29;
	s30 =	sor.u32 $0x380, s30  }
0xd4: {  	s28 =	sor.u32 s25, s24;
	v17 =	vld [tilespmem:s30+$0x1000]  }
0xd5: {  	v10 =	vld [tilespmem:s28+$0x0]  }
0xd6: {  	v11 =	vld [tilespmem:s28+$0x80]  }
0xd7: {  	s26 =	sand.u32 $0x3, s21;
	v12 =	vld [tilespmem:s28+$0x100]  }
0xd8: {  	s26 =	sshll.u32 s26, $0x5;
	v13 =	vld [tilespmem:s28+$0x180]  }
0xd9: {  	s26 =	sadd.s32 s26, s22;
	v14 =	vld [tilespmem:s28+$0x200]  }
0xda: {  	v15 =	vld [tilespmem:s28+$0x280];
	s31 =	sor.u32 $0x300, s26;
	s28 =	sor.u32 $0x1800, s29  }
0xdb: {  	s29 =	sor.u32 $0x1880, s29;
	v16 =	vld [tilespmem:s31+$0x1000];
	s31 =	sor.u32 s25, s28  }
0xdc: {  	v18 =	vld [tilespmem:s31+$0x0];
	s31 =	sor.u32 s25, s29  }
0xdd: {  	v19 =	vld [tilespmem:s31+$0x0];
	_ =	sdelay $0x1  }
0xde: {  	v20 =	vmax.f32 v10, v11  }
0xdf: {  	v21 =	vmax.f32 v12, v13;
	v22 =	vmax.f32 v14, v15;
	v23 =	vmax.f32 v16, v17  }
0xe0: {  	v20 =	vmax.f32 v20, v21;
	v28 =	vmax.f32 v22, v23  }
0xe1: {  	v29 =	vmax.f32 v18, v19;
	v20 =	vmax.f32 v20, v28  }
0xe2: {  	v20 =	vmax.f32 v20, v29  }
0xe3: {  	v10 =	vsub.f32 v10, v20  }
0xe4: {  	v11 =	vsub.f32 v11, v20  }
0xe5: {  	v12 =	vsub.f32 v12, v20;
	v10 =	vmul.f32 $1.442695020e+00, v10  }
0xe6: {  	v13 =	vsub.f32 v13, v20;
	v11 =	vmul.f32 $1.442695020e+00, v11  }
0xe7: {  	v30 =	vsub.f32 v14, v20;
	(erf) = vpow2.f32 v10;
	v10 =	vmul.f32 $1.442695020e+00, v12  }
0xe8: {  	v31 =	vsub.f32 v15, v20;
	(erf) = vpow2.f32 v11;
	v11 =	vmul.f32 $1.442695020e+00, v13  }
0xe9: {  	v32 =	vsub.f32 v16, v20;
	(erf) = vpow2.f32 v10;
	v10 =	vmul.f32 $1.442695020e+00, v30  }
0xea: {  	v33 =	vsub.f32 v17, v20;
	(erf) = vpow2.f32 v11;
	v11 =	vmul.f32 $1.442695020e+00, v31  }
0xeb: {  	(erf) = vpow2.f32 v10;
	v10 =	vmul.f32 $1.442695020e+00, v32  }
0xec: {  	(erf) = vpow2.f32 v11;
	v11 =	vmul.f32 $1.442695020e+00, v33  }
0xed: {  	(erf) = vpow2.f32 v10;
	v10 =	vsub.f32 v18, v20  }
0xee: {  	(erf) = vpow2.f32 v11;
	v11 =	vsub.f32 v19, v20  }
0xef: {  	v10 =	vmul.f32 $1.442695020e+00, v10  }
0xf0: {  	v11 =	vmul.f32 $1.442695020e+00, v11  }
0xf1: {  	v34 =	vpop (erf)  }
0xf2: {  	v35 =	vpop (erf);
	(erf) = vpow2.f32 v10  }
0xf3: {  	v10 =	vpop (erf);
	(erf) = vpow2.f32 v11  }
0xf4: {  	v11 =	vpop (erf)  }
0xf5: {  	v36 =	vpop (erf)  }
0xf6: {  	v37 =	vpop (erf)  }
0xf7: {  	v38 =	vpop (erf)  }
0xf8: {  	v40 =	vadd.f32 v35, v34;
	v41 =	vadd.f32 v11, v10;
	v39 =	vpop (erf)  }
0xf9: {  	v42 =	vadd.f32 v37, v36;
	v43 =	vadd.f32 v39, v38;
	_ =	sdelay $0x1  }
0xfa: {  	v18 =	vadd.f32 v41, v40;
	v44 =	vpop (erf);
	v45 =	vadd.f32 v43, v42  }
0xfb: {  	v46 =	vpop (erf)  }
0xfc: {  	v47 =	vadd.f32 v46, v44;
	v18 =	vadd.f32 v45, v18;
	_ =	sdelay $0x1  }
0xfd: {  	v18 =	vadd.f32 v18, v47;
	_ =	sdelay $0x1  }
0xfe: {  	(erf) = vrcp.f32 v18;
	_ =	sdelay $0x4  }
0xff: {  	v48 =	vmul.f32 v34, v34;
	v11 =	vmul.f32 v11, v11  }
0x100: {  	v49 =	vmul.f32 v35, v35;
	v10 =	vmul.f32 v10, v10  }
0x101: {  	v14 =	vmul.f32 v36, v36;
	v15 =	vmul.f32 v37, v37  }
0x102: {  	v16 =	vmul.f32 v38, v38;
	v17 =	vmul.f32 v39, v39  }
0x103: {  	v10 =	vadd.f32 v11, v10;
	v14 =	vadd.f32 v15, v14;
	v11 =	vpop (erf)  }
0x104: {  	v50 =	vadd.f32 v17, v16;
	v18 =	vadd.f32 v49, v48;
	v12 =	vmul.f32 v11, v34  }
0x105: {  	v51 =	vmul.f32 v44, v44;
	v52 =	vmul.f32 v46, v46  }
0x106: {  	v14 =	vadd.f32 v50, v14;
	v10 =	vadd.f32 v10, v18;
	v53 =	vmul.f32 v12, v6;
	_ =	sdelay $0x1  }
0x107: {  	v16 =	vadd.f32 v52, v51;
	v10 =	vadd.f32 v14, v10;
	v54 =	vtrunc.f32 v53  }
0x108: {  	v14 =	vcvt.f32.s32 v54  }
0x109: {  	v10 =	vadd.f32 v10, v16  }
0x10a: {  	vm0 =	vlt.s32 v14, $0xE  }
0x10b: {  	v10 =	vmul.f32 v11, v10;
	v14 =	vnsel vm0, $0xE, v14  }
0x10c: {  	v55 =	vadd.s32 $0x1, v14  }
0x10d: {  	v10 =	vmul.f32 v10, v11;
	_ =	sdelay $0x1  }
0x10e: {  	[tilespmem:s16+$0x0] =	vst.add.f32.msk $0xffff, v10  }
0x10f: {  	v10 =	vld.idx.msk [tilespmem:v14+s13+$0x0], $0xffff  }
0x110: {  	v15 =	vld.idx.msk [tilespmem:v55+s13+$0x0], $0xffff;
	_ =	sdelay $0x2  }
0x111: {  	v11 =	vmul.f32 v11, v35;
	_ =	sdelay $0x1  }
0x112: {  	vm14 =	vle.f32 v12, v10;
	v10 =	vmul.f32 v11, v6;
	vm1 =	vgt.f32 v12, v15  }
0x113: {  	v56 =	vsel vm14, $0xFFFFFFFF, v1;
	v15 =	vsel vm1, $0x1, v1  }
0x114: {  	v57 =	vshll.u32 v14, $0x7;
	v10 =	vtrunc.f32 v10;
	v13 =	vadd.s32 v56, v15  }
0x115: {  	v58 =	vor.u32 v2, v57;
	v10 =	vcvt.f32.s32 v10;
	v13 =	vadd.s32 v14, v13  }
0x116: {  	v15 =	vadd.s32 v3, v57;
	vm15 =	vgt.s32 v13, $0xFFFFFFFF;
	v13 =	vshll.u32 v13, $0x7  }
0x117: {  	vm4 =	vlt.s32 v10, $0xE;
	v13 =	vadd.s32 v5, v13  }
0x118: {  	v10 =	vnsel vm4, $0xE, v10  }
0x119: {  	v59 =	vadd.s32 $0x1, v10  }
0x11a: {  	[tilespmem:v58+s17+$0x0] =	vst.idx.add.f32.msk $0xffff, v12  }
0x11b: {  	[tilespmem:v15+s17+$0x0] =	vst.idx.add.f32.msk $0xffff, v4  }
0x11c: {  	[tilespmem:v13+s17+$0x0] =	vst.idx.add.f32.msk vm15, v4  }
0x11d: {  	v12 =	vld.idx.msk [tilespmem:v10+s13+$0x0], $0xffff  }
0x11e: {  	v13 =	vld.idx.msk [tilespmem:v59+s13+$0x0], $0xffff;
	_ =	sdelay $0x4  }
0x11f: {  	vm5 =	vle.f32 v11, v12;
	vm6 =	vgt.f32 v11, v13  }
0x120: {  	v12 =	vsel vm5, $0xFFFFFFFF, v1;
	v13 =	vsel vm6, $0x1, v1  }
0x121: {  	v60 =	vshll.u32 v10, $0x7;
	v12 =	vadd.s32 v12, v13  }
0x122: {  	v61 =	vadd.s32 v7, v60;
	v10 =	vadd.s32 v10, v12  }
0x123: {  	v13 =	vadd.s32 v8, v60;
	vm7 =	vgt.s32 v10, $0xFFFFFFFF;
	v10 =	vshll.u32 v10, $0x7  }
0x124: {  	v10 =	vadd.s32 v9, v10;
	_ =	sdelay $0x2  }
0x125: {  	[tilespmem:v61+s17+$0x0] =	vst.idx.add.f32.msk $0xffff, v11  }
0x126: {  	s25 =	sor.u32 $0x10, s25;
	[tilespmem:v13+s17+$0x0] =	vst.idx.add.f32.msk $0xffff, v4  }
0x127: {  	s24 =	sor.u32 s25, s24;
	[tilespmem:v10+s17+$0x0] =	vst.idx.add.f32.msk vm7, v4  }
0x128: {  	v10 =	vld [tilespmem:s24+$0x0]  }
0x129: {  	v11 =	vld [tilespmem:s24+$0x80]  }
0x12a: {  	v12 =	vld [tilespmem:s24+$0x100]  }
0x12b: {  	v13 =	vld [tilespmem:s24+$0x180]  }
0x12c: {  	s26 =	sadd.s32 $0x10, s26;
	v14 =	vld [tilespmem:s24+$0x200]  }
0x12d: {  	s31 =	sor.u32 $0x300, s26;
	v15 =	vld [tilespmem:s24+$0x280]  }
0x12e: {  	s26 =	sor.u32 $0x380, s26;
	v62 =	vld [tilespmem:s31+$0x1000]  }
0x12f: {  	s30 =	sor.u32 s25, s28;
	v63 =	vld [tilespmem:s26+$0x1000]  }
0x130: {  	v24 =	vld [tilespmem:s30+$0x0];
	s31 =	sor.u32 s25, s29  }
0x131: {  	v25 =	vld [tilespmem:s31+$0x0];
	_ =	sdelay $0x1  }
0x132: {  	v26 =	vmax.f32 v10, v11  }
0x133: {  	v27 =	vmax.f32 v12, v13;
	v28 =	vmax.f32 v14, v15;
	v29 =	vmax.f32 v62, v63  }
0x134: {  	v20 =	vmax.f32 v26, v27;
	v30 =	vmax.f32 v28, v29  }
0x135: {  	v31 =	vmax.f32 v24, v25;
	v20 =	vmax.f32 v20, v30  }
0x136: {  	v20 =	vmax.f32 v20, v31  }
0x137: {  	v10 =	vsub.f32 v10, v20  }
0x138: {  	v11 =	vsub.f32 v11, v20  }
0x139: {  	v12 =	vsub.f32 v12, v20;
	v10 =	vmul.f32 $1.442695020e+00, v10  }
0x13a: {  	v13 =	vsub.f32 v13, v20;
	v11 =	vmul.f32 $1.442695020e+00, v11  }
0x13b: {  	v32 =	vsub.f32 v14, v20;
	(erf) = vpow2.f32 v10;
	v10 =	vmul.f32 $1.442695020e+00, v12  }
0x13c: {  	v33 =	vsub.f32 v15, v20;
	(erf) = vpow2.f32 v11;
	v11 =	vmul.f32 $1.442695020e+00, v13  }
0x13d: {  	v34 =	vsub.f32 v62, v20;
	(erf) = vpow2.f32 v10;
	v10 =	vmul.f32 $1.442695020e+00, v32  }
0x13e: {  	v35 =	vsub.f32 v63, v20;
	(erf) = vpow2.f32 v11;
	v11 =	vmul.f32 $1.442695020e+00, v33  }
0x13f: {  	(erf) = vpow2.f32 v10;
	v10 =	vmul.f32 $1.442695020e+00, v34  }
0x140: {  	(erf) = vpow2.f32 v11;
	v11 =	vmul.f32 $1.442695020e+00, v35  }
0x141: {  	(erf) = vpow2.f32 v10;
	v10 =	vsub.f32 v24, v20  }
0x142: {  	(erf) = vpow2.f32 v11;
	v11 =	vsub.f32 v25, v20  }
0x143: {  	v10 =	vmul.f32 $1.442695020e+00, v10  }
0x144: {  	v11 =	vmul.f32 $1.442695020e+00, v11  }
0x145: {  	v36 =	vpop (erf)  }
0x146: {  	v37 =	vpop (erf);
	(erf) = vpow2.f32 v10  }
0x147: {  	(erf) = vpow2.f32 v11;
	v10 =	vpop (erf)  }
0x148: {  	v11 =	vpop (erf)  }
0x149: {  	v38 =	vpop (erf)  }
0x14a: {  	v39 =	vpop (erf)  }
0x14b: {  	v40 =	vpop (erf)  }
0x14c: {  	v42 =	vadd.f32 v37, v36;
	v43 =	vadd.f32 v11, v10;
	v41 =	vpop (erf)  }
0x14d: {  	v44 =	vadd.f32 v39, v38;
	v45 =	vadd.f32 v41, v40;
	_ =	sdelay $0x1  }
0x14e: {  	v18 =	vadd.f32 v43, v42;
	v46 =	vpop (erf);
	v47 =	vadd.f32 v45, v44  }
0x14f: {  	v48 =	vpop (erf)  }
0x150: {  	v49 =	vadd.f32 v48, v46;
	v18 =	vadd.f32 v47, v18;
	_ =	sdelay $0x1  }
0x151: {  	v18 =	vadd.f32 v18, v49;
	_ =	sdelay $0x1  }
0x152: {  	(erf) = vrcp.f32 v18;
	_ =	sdelay $0x4  }
0x153: {  	v50 =	vmul.f32 v36, v36;
	v11 =	vmul.f32 v11, v11  }
0x154: {  	v51 =	vmul.f32 v37, v37;
	v10 =	vmul.f32 v10, v10  }
0x155: {  	v14 =	vmul.f32 v38, v38;
	v15 =	vmul.f32 v39, v39  }
0x156: {  	v16 =	vmul.f32 v40, v40;
	v17 =	vmul.f32 v41, v41  }
0x157: {  	v10 =	vadd.f32 v11, v10;
	v14 =	vadd.f32 v15, v14;
	v11 =	vpop (erf)  }
0x158: {  	v52 =	vadd.f32 v17, v16;
	v18 =	vadd.f32 v51, v50;
	v12 =	vmul.f32 v11, v36  }
0x159: {  	v53 =	vmul.f32 v46, v46;
	v54 =	vmul.f32 v48, v48  }
0x15a: {  	v14 =	vadd.f32 v52, v14;
	v10 =	vadd.f32 v10, v18;
	v55 =	vmul.f32 v12, v6;
	_ =	sdelay $0x1  }
0x15b: {  	v16 =	vadd.f32 v54, v53;
	v10 =	vadd.f32 v14, v10;
	v56 =	vtrunc.f32 v55  }
0x15c: {  	v14 =	vcvt.f32.s32 v56  }
0x15d: {  	v10 =	vadd.f32 v10, v16  }
0x15e: {  	vm8 =	vlt.s32 v14, $0xE  }
0x15f: {  	v10 =	vmul.f32 v11, v10;
	v14 =	vnsel vm8, $0xE, v14  }
0x160: {  	v57 =	vadd.s32 $0x1, v14  }
0x161: {  	v10 =	vmul.f32 v10, v11;
	_ =	sdelay $0x1  }
0x162: {  	[tilespmem:s16+$0x0] =	vst.add.f32.msk $0xffff, v10  }
0x163: {  	v10 =	vld.idx.msk [tilespmem:v14+s13+$0x0], $0xffff  }
0x164: {  	v15 =	vld.idx.msk [tilespmem:v57+s13+$0x0], $0xffff;
	_ =	sdelay $0x2  }
0x165: {  	v11 =	vmul.f32 v11, v37;
	_ =	sdelay $0x1  }
0x166: {  	vm9 =	vle.f32 v12, v10;
	v10 =	vmul.f32 v11, v6;
	vm10 =	vgt.f32 v12, v15  }
0x167: {  	v58 =	vsel vm9, $0xFFFFFFFF, v1;
	v15 =	vsel vm10, $0x1, v1  }
0x168: {  	v59 =	vshll.u32 v14, $0x7;
	v10 =	vtrunc.f32 v10;
	v13 =	vadd.s32 v58, v15  }
0x169: {  	v60 =	vor.u32 v2, v59;
	v10 =	vcvt.f32.s32 v10;
	v13 =	vadd.s32 v14, v13  }
0x16a: {  	v15 =	vadd.s32 v3, v59;
	vm11 =	vgt.s32 v13, $0xFFFFFFFF;
	v13 =	vshll.u32 v13, $0x7  }
0x16b: {  	vm12 =	vlt.s32 v10, $0xE;
	v13 =	vadd.s32 v5, v13  }
0x16c: {  	v10 =	vnsel vm12, $0xE, v10  }
0x16d: {  	v61 =	vadd.s32 $0x1, v10  }
0x16e: {  	[tilespmem:v60+s17+$0x0] =	vst.idx.add.f32.msk $0xffff, v12  }
0x16f: {  	[tilespmem:v15+s17+$0x0] =	vst.idx.add.f32.msk $0xffff, v4  }
0x170: {  	[tilespmem:v13+s17+$0x0] =	vst.idx.add.f32.msk vm11, v4  }
0x171: {  	v12 =	vld.idx.msk [tilespmem:v10+s13+$0x0], $0xffff  }
0x172: {  	v13 =	vld.idx.msk [tilespmem:v61+s13+$0x0], $0xffff;
	_ =	sdelay $0x4  }
0x173: {  	vm13 =	vle.f32 v11, v12;
	vm14 =	vgt.f32 v11, v13  }
0x174: {  	v12 =	vsel vm13, $0xFFFFFFFF, v1;
	v13 =	vsel vm14, $0x1, v1  }
0x175: {  	v62 =	vshll.u32 v10, $0x7;
	v12 =	vadd.s32 v12, v13  }
0x176: {  	v63 =	vadd.s32 v7, v62;
	v10 =	vadd.s32 v10, v12  }
0x177: {  	v13 =	vadd.s32 v8, v62;
	vm15 =	vgt.s32 v10, $0xFFFFFFFF;
	v10 =	vshll.u32 v10, $0x7  }
0x178: {  	p0 =	sne.s32 s23, $0xE0;
	v10 =	vadd.s32 v9, v10  }
.Ltmp2:
0x179: {  	_ = 	snop;
	(pc) =	sbr.rel @p0 .LBB2_6-.Ltmp2, $4  }
0x17a: {  	_ = 	snop  }
0x17b: {  	[tilespmem:v63+s17+$0x0] =	vst.idx.add.f32.msk $0xffff, v11  }
0x17c: {  	[tilespmem:v13+s17+$0x0] =	vst.idx.add.f32.msk $0xffff, v4  }
0x17d: {  	s21 =	sadd.s32 $0x1, s21;
	s23 =	sadd.s32 $0x20, s23;
	s22 =	sadd.s32 $0x100, s22;
	[tilespmem:v10+s17+$0x0] =	vst.idx.add.f32.msk vm15, v4  }
0x17e: {  	_ =	swait.ge [sflag:s19], $0x200  }
0x17f: {  	[sflag:s19] =	ssyncset.done $0x0  }
0x180: {  	[sflag:s19] =	ssyncadd.s32 $0xFFFFFE00  }
0x181: {  	v10 =	vld [tilespmem:$0x2000];
	_ =	sdelay $0x4  }
0x182: {  	s22 =	simm.s32 $0x10;
	s21 =	simm.s32 $0x80;
	[tilespmem:$0x5680] =	vst v10  }
.LBB2_8:
0x183: {  	p0 =	sne.s32 s21, $0x7C0;
	v11 =	vld [tilespmem:s22+$0x2000];
	_ =	sdelay $0x2  }
.Ltmp3:
0x184: {  	(pc) =	sbr.rel @p0 .LBB2_8-.Ltmp3, $4  }
0x185: {  	_ = 	snop  }
0x186: {  	vm0 =	vgt.s32 v10, v11  }
0x187: {  	v10 =	vsel vm0, v10, v11  }
0x188: {  	s22 =	sshra.s32 s21, $0x2;
	s21 =	sadd.s32 $0x40, s21;
	[tilespmem:$0x5680] =	vst v10  }
0x189: {  	v11 =	vld [tilespmem:s22+$0x2000];
	_ =	sdelay $0x4  }
0x18a: {  	vm0 =	vgt.s32 v10, v11  }
0x18b: {  	v10 =	vsel vm0, v10, v11  }
0x18c: {  	s20 =	sadd.s32 $0x1, s20;
	v11 =	vcvt.s32.f32 v10  }
0x18d: {  	p0 =	sne.s32 s20, s8;
	[tilespmem:$0x5680] =	vst v10  }
.Ltmp4:
0x18e: {  	[tilespmem:$0x5300] =	vst v11;
	(pc) =	sbr.rel @p0 .LBB2_1-.Ltmp4, $4  }
0x18f: {  	[hbm4b:s7+s2] =	stream.linear.scatter [tilespmem:s17], [sflag:$0x4], $0x3100, $0x38;
	[tilespmem:$0x5700] =	vst v63  }
0x190: {  	_ =	swait.ge [sflag:s14], $0x3100  }
0x191: {  	[sflag:s14] =	ssyncset.done $0x0  }
0x192: {  	[sflag:s14] =	ssyncadd.s32 $0xFFFFCF00  }
0x193: {  	_ =	sfence.sel $0x180000  }
0x194: {  	[bflag:$0x0] =	sbarrier.arrive $0xFFFF  }
0x195: {  	p0 =	sne.s32 s3, $0x0;
	_ =	strace $0x90000047  }
0x196: {  	s0 =	sadd.s32 @!p0 $0x100000, s0;
	[bflag:$0x2] =	sbarrier.arrive $0xFFFF  }
0x197: {  	[sflag:s0] =	ssyncadd.tile.s32 @!p0 $0x1;
	_ =	shalt  }
.Lfunc_end2:
_tile_overlayer_lowered:
.L_overlay_start_2:
0x198: {  	(tag) =	ssettag $0x2  }
0x199: {  	s0 =	rddreg [dreg:$0x0];
	s2 =	stileid.u32  }
0x19a: {  	s1 =	rddreg [dreg:$0x1];
	p0 =	sne.s32 s2, $0x0  }
0x19b: {  	s3 =	rddreg [dreg:$0x2];
	[bflag:$0x3] =	sbarrier.arrive $0xFFFF;
	s2 =	simm.s32 @!p0 $0x1C04  }
0x19c: {  	[timem:s3], [sflag:s2] =	dma.local @!p0 [hbm:s0], s1  }
0x19d: {  	s0 =	simm.s32 @!p0 $0x4  }
0x19e: {  	_ =	swait.ge @!p0 [sflag:s0], s1  }
0x19f: {  	s1 =	ssub.s32 @!p0 $0x0, s1;
	[sflag:s0] =	ssyncset.done @!p0 $0x0  }
0x1a0: {  	[sflag:s0] =	ssyncadd.s32 @!p0 s1  }
0x1a1: {  	[bflag:$0x3] =	sbarrier.arrive $0xFFFF  }
0x1a2: {  	_ =	shalt  }

</sc_bundles>
